<compile_context>
chip_gen: v7x
topology: tpu7x:2x2x1
jax: 0.10.2.dev20260603
libtpu: 0.0.44.dev20260713+nightly
codegen_flags: <defaults>
</compile_context>

<pallas_src>
import functools

import jax
import jax.numpy as jnp
from jax import lax
from jax.experimental import pallas as pl
from jax.experimental.pallas import tpu as pltpu
from jax.experimental.pallas import tpu_sc as plsc

V = 10000
E = 320000
D = 128

NC = 2
NS = 16
L = 16
NW = NC * NS

V_PAD = 10240
CHUNK = 128
CHUNKS = 320
E_PAD = NS * CHUNKS * CHUNK
ROWS_PER_TILE = V_PAD // NS


DH = D // NC


def _sc_scatter_body(vw1_hbm, dst_hbm, src_hbm, out_hbm,
                     idxd, idxs, rb0, rb1, rb2, rb3, vw1_sp, acc,
                     g0, g1, g2, g3, s0, s1, s2, s3,
                     i0, i1, i2, i3, i4, i5, i6, i7):
    c = lax.axis_index("c")
    s = lax.axis_index("s")

    RB = (rb0, rb1, rb2, rb3)
    GS = (g0, g1, g2, g3)
    SS = (s0, s1, s2, s3)
    IS = (i0, i1, i2, i3, i4, i5, i6, i7)

    zvec = jnp.zeros((L,), jnp.float32)

    @pl.loop(0, CHUNK)
    def _zero_rows(r):
        @pl.loop(0, DH // L)
        def _zero_cols(k):
            rb0[r, pl.ds(k * L, L)] = zvec

    base = s * ROWS_PER_TILE

    @pl.loop(0, ROWS_PER_TILE // CHUNK)
    def _zero_acc(t):
        pltpu.sync_copy(rb0, acc.at[pl.ds(base + t * CHUNK, CHUNK)])

    pltpu.sync_copy(vw1_hbm.at[c, pl.ds(base, ROWS_PER_TILE)],
                    vw1_sp.at[pl.ds(base, ROWS_PER_TILE)])

    plsc.subcore_barrier()

    def fire_idx(x, q):
        pltpu.async_copy(dst_hbm.at[s, x], idxd.at[q], IS[q])
        pltpu.async_copy(src_hbm.at[s, x], idxs.at[q], IS[q])

    def wait_idx(x, q):
        pltpu.make_async_copy(dst_hbm.at[s, x], idxd.at[q], IS[q]).wait()
        pltpu.make_async_copy(src_hbm.at[s, x], idxs.at[q], IS[q]).wait()

    def fire_gather(b, q):
        pltpu.async_copy(vw1_sp.at[idxs.at[q]], RB[b], GS[b])

    def wait_gather(b, q):
        pltpu.make_async_copy(vw1_sp.at[idxs.at[q]], RB[b], GS[b]).wait()

    def fire_scatter(b, q):
        pltpu.async_copy(RB[b], acc.at[idxd.at[q]], SS[b], add=True)

    def wait_scatter(b, q):
        pltpu.make_async_copy(RB[b], acc.at[idxd.at[q]], SS[b]).wait()

    for x in range(4):
        fire_idx(x, x)
    wait_idx(0, 0)
    fire_gather(0, 0)
    wait_idx(1, 1)
    fire_gather(1, 1)

    @pl.loop(0, CHUNKS, step=8)
    def _edge_chunk(j):
        for p in range(8):
            cur = j + p
            b = p & 3
            wait_gather(b, p)
            fire_scatter(b, p)

            @pl.when(cur < CHUNKS - 2)
            def _steady():
                @pl.when(cur >= 2)
                def _free_buf():
                    wait_scatter((b + 2) & 3, (p + 6) & 7)

                @pl.when(cur < CHUNKS - 4)
                def _refill():
                    fire_idx(cur + 4, (p + 4) & 7)

                wait_idx(cur + 2, (p + 2) & 7)
                fire_gather((b + 2) & 3, (p + 2) & 7)

    for p in range(4):
        wait_scatter(p, p)

    plsc.subcore_barrier()

    pltpu.sync_copy(acc.at[pl.ds(base, ROWS_PER_TILE)],
                    out_hbm.at[c, pl.ds(base, ROWS_PER_TILE)])


_sc_scatter = pl.kernel(
    _sc_scatter_body,
    out_type=jax.ShapeDtypeStruct((NC, V_PAD, DH), jnp.float32),
    mesh=plsc.VectorSubcoreMesh(
        core_axis_name="c", subcore_axis_name="s",
        num_cores=NC, num_subcores=NS),
    scratch_types=[
        pltpu.VMEM((8, CHUNK), jnp.int32),
        pltpu.VMEM((8, CHUNK), jnp.int32),
        pltpu.VMEM((CHUNK, DH), jnp.float32),
        pltpu.VMEM((CHUNK, DH), jnp.float32),
        pltpu.VMEM((CHUNK, DH), jnp.float32),
        pltpu.VMEM((CHUNK, DH), jnp.float32),
        pltpu.VMEM_SHARED((V_PAD, DH), jnp.float32),
        pltpu.VMEM_SHARED((V_PAD, DH), jnp.float32),
    ] + [pltpu.SemaphoreType.DMA] * 16,
    compiler_params=pltpu.CompilerParams(use_tc_tiling_on_sc=False),
)


def _mm_body(x_ref, w_ref, b_ref, o_ref):
    mm = lax.dot_general(
        x_ref[...], w_ref[...], (((1,), (1,)), ((), ())),
        preferred_element_type=jnp.float32) + b_ref[...]
    o_ref[0] = mm[:, :DH]
    o_ref[1] = mm[:, DH:]


def _combine_body(x_ref, w_ref, b_ref, p0_ref, p1_ref, o_ref):
    nsum = jnp.concatenate((p0_ref[0], p1_ref[0]), axis=-1)
    o_ref[...] = (lax.dot_general(
        x_ref[...], w_ref[...], (((1,), (1,)), ((), ())),
        preferred_element_type=jnp.float32)
        + b_ref[...] + nsum)


def kernel(verts, edges, W0, b0, W1, b1):
    b0r = b0.reshape(1, D)
    b1r = b1.reshape(1, D)

    mm_rows = V_PAD // 8
    vw1_split = pl.pallas_call(
        _mm_body,
        grid=(8,),
        in_specs=[
            pl.BlockSpec((mm_rows, D), lambda i: (i, 0)),
            pl.BlockSpec((D, D), lambda i: (0, 0)),
            pl.BlockSpec((1, D), lambda i: (0, 0)),
        ],
        out_specs=pl.BlockSpec((NC, mm_rows, DH), lambda i: (0, i, 0)),
        out_shape=jax.ShapeDtypeStruct((NC, V_PAD, DH), jnp.float32),
    )(verts, W1, b1r)

    fill = jnp.full((E_PAD - 2 * E,), V, jnp.int32)
    dst = jnp.concatenate([edges[:, 0], edges[:, 1], fill]).reshape(
        NS, CHUNKS, CHUNK)
    src = jnp.concatenate([edges[:, 1], edges[:, 0], fill]).reshape(
        NS, CHUNKS, CHUNK)

    partials = _sc_scatter(vw1_split, dst, src)

    cb_rows = 400
    out = pl.pallas_call(
        _combine_body,
        grid=(V // cb_rows,),
        in_specs=[
            pl.BlockSpec((cb_rows, D), lambda i: (i, 0)),
            pl.BlockSpec((D, D), lambda i: (0, 0)),
            pl.BlockSpec((1, D), lambda i: (0, 0)),
            pl.BlockSpec((1, cb_rows, DH), lambda i: (0, i, 0)),
            pl.BlockSpec((1, cb_rows, DH), lambda i: (1, i, 0)),
        ],
        out_specs=pl.BlockSpec((cb_rows, D), lambda i: (i, 0)),
        out_shape=jax.ShapeDtypeStruct((V, D), jnp.float32),
    )(verts, W0, b0r, partials, partials)

    return out

# --- scband reference (transcript-rebuilt; emitter-appended) ---
"""Pipeline reference for scband-graph-conv-26860725469245 (READ-ONLY COPY).

The authoritative reference and input builder live on the scoring server;
editing this copy changes nothing except your own understanding.
"""

import jax, jax.numpy as jnp
import numpy as np

V = 10000
E = 320000
D_IN = 128
D_OUT = 128


def setup_inputs(seed: int = 0) -> dict:
    key = jax.random.key(seed)
    k1, k2, k3, k4 = jax.random.split(key, 4)
    verts = jax.random.normal(k1, (V, D_IN), dtype=jnp.float32)
    edges = jax.random.randint(k2, (E, 2), 0, V, dtype=jnp.int32)
    # Linear layer params (nn.Linear convention: y = x @ W.T + b), normal init std=0.01, zero bias
    W0 = 0.01 * jax.random.normal(k3, (D_OUT, D_IN), dtype=jnp.float32)
    b0 = jnp.zeros((D_OUT,), dtype=jnp.float32)
    W1 = 0.01 * jax.random.normal(k4, (D_OUT, D_IN), dtype=jnp.float32)
    b1 = jnp.zeros((D_OUT,), dtype=jnp.float32)
    return {"verts": verts, "edges": edges, "W0": W0, "b0": b0, "W1": W1, "b1": b1}


def gather_scatter(x, edges, directed=False):
    # output[e0] += x[e1]; if undirected also output[e1] += x[e0]
    out = jnp.zeros_like(x)
    idx0 = edges[:, 0]
    idx1 = edges[:, 1]
    out = out.at[idx0].add(jnp.take(x, idx1, axis=0))
    if not directed:
        out = out.at[idx1].add(jnp.take(x, idx0, axis=0))
    return out


def reference(verts, edges, W0, b0, W1, b1):
    verts_w0 = verts @ W0.T + b0
    verts_w1 = verts @ W1.T + b1
    neighbor_sums = gather_scatter(verts_w1, edges, directed=False)
    out = verts_w0 + neighbor_sums
    return out

if __name__ == "__main__":
    import jax
    _d = setup_inputs()
    print(jax.jit(kernel)(*tuple(_d.values())))

</pallas_src>

<mosaic_0001>
#map = affine_map<(d0, d1) -> (0, 0, 0)>
module attributes {stable_mosaic.version = 14 : i64} {
  func.func @_sc_scatter_body(%arg0: i32, %arg1: i32, %arg2: memref<2x10240x64xf32, #tpu.memory_space<hbm>>, %arg3: memref<16x320x128xi32, #tpu.memory_space<hbm>>, %arg4: memref<16x320x128xi32, #tpu.memory_space<hbm>>, %arg5: memref<2x10240x64xf32, #tpu.memory_space<hbm>>, %arg6: memref<8x128xi32, #tpu.memory_space<vmem>>, %arg7: memref<8x128xi32, #tpu.memory_space<vmem>>, %arg8: memref<128x64xf32, #tpu.memory_space<vmem>>, %arg9: memref<128x64xf32, #tpu.memory_space<vmem>>, %arg10: memref<128x64xf32, #tpu.memory_space<vmem>>, %arg11: memref<128x64xf32, #tpu.memory_space<vmem>>, %arg12: memref<10240x64xf32, #tpu.memory_space<vmem_shared>>, %arg13: memref<10240x64xf32, #tpu.memory_space<vmem_shared>>, %arg14: memref<!tpu.dma_semaphore, #tpu.memory_space<semaphore_mem>>, %arg15: memref<!tpu.dma_semaphore, #tpu.memory_space<semaphore_mem>>, %arg16: memref<!tpu.dma_semaphore, #tpu.memory_space<semaphore_mem>>, %arg17: memref<!tpu.dma_semaphore, #tpu.memory_space<semaphore_mem>>, %arg18: memref<!tpu.dma_semaphore, #tpu.memory_space<semaphore_mem>>, %arg19: memref<!tpu.dma_semaphore, #tpu.memory_space<semaphore_mem>>, %arg20: memref<!tpu.dma_semaphore, #tpu.memory_space<semaphore_mem>>, %arg21: memref<!tpu.dma_semaphore, #tpu.memory_space<semaphore_mem>>, %arg22: memref<!tpu.dma_semaphore, #tpu.memory_space<semaphore_mem>>, %arg23: memref<!tpu.dma_semaphore, #tpu.memory_space<semaphore_mem>>, %arg24: memref<!tpu.dma_semaphore, #tpu.memory_space<semaphore_mem>>, %arg25: memref<!tpu.dma_semaphore, #tpu.memory_space<semaphore_mem>>, %arg26: memref<!tpu.dma_semaphore, #tpu.memory_space<semaphore_mem>>, %arg27: memref<!tpu.dma_semaphore, #tpu.memory_space<semaphore_mem>>, %arg28: memref<!tpu.dma_semaphore, #tpu.memory_space<semaphore_mem>>, %arg29: memref<!tpu.dma_semaphore, #tpu.memory_space<semaphore_mem>>) attributes {dimension_semantics = [#tpu.dimension_semantics<core_parallel>, #tpu.dimension_semantics<subcore_parallel>], iteration_bounds = array<i64: 2, 16>, scalar_prefetch = 0 : i64, scratch_operands = 24 : i64, tpu.core_type = #tpu.core_type<sc_vector_subcore>, window_params = [{transform_indices = #map}, {transform_indices = #map}, {transform_indices = #map}, {transform_indices = #map}]} {
    %broadcast_in_dim3A = arith.constant 0.000000e+00 : f32
    %broadcast_in_dim3A_0 = vector.broadcast %broadcast_in_dim3A : f32 to vector<16xf32>
    %scan3A = arith.constant 0 : i32
    %scan3A_1 = arith.constant 128 : i32
    %scan3A_2 = arith.addi %scan3A, %scan3A_1 : i32
    %scan3A_3 = arith.constant 1 : i32
    scf.for %scan3A_225 = %scan3A to %scan3A_2 step %scan3A_3  : i32 {
      %mul3A_226 = arith.constant 1 : i32
      %mul3A_227 = arith.muli %scan3A_225, %mul3A_226 : i32
      %add3A = arith.constant 0 : i32
      %add3A_228 = arith.addi %add3A, %mul3A_227 : i32
      %scan3A_229 = arith.constant 0 : i32
      %scan3A_230 = arith.constant 4 : i32
      %scan3A_231 = arith.addi %scan3A_229, %scan3A_230 : i32
      %scan3A_232 = arith.constant 1 : i32
      scf.for %scan3A_234 = %scan3A_229 to %scan3A_231 step %scan3A_232  : i32 {
        %mul3A_235 = arith.constant 1 : i32
        %mul3A_236 = arith.muli %scan3A_234, %mul3A_235 : i32
        %add3A_237 = arith.constant 0 : i32
        %add3A_238 = arith.addi %add3A_237, %mul3A_236 : i32
        %mul3A_239 = arith.constant 16 : i32
        %mul3A_240 = arith.muli %add3A_238, %mul3A_239 : i32
        %swap3A = arith.index_cast %add3A_228 : i32 to index
        %swap3A_241 = arith.index_cast %mul3A_240 : i32 to index
        %swap3A_242 = tpu.vector_load %arg8[%swap3A, %swap3A_241] {strides = array<i32>} : memref<128x64xf32, #tpu.memory_space<vmem>>, vector<1x16xf32>,
        %swap3A_243 = vector.shape_cast %swap3A_242 : vector<1x16xf32> to vector<16xf32>
        %swap3A_244 = vector.shape_cast %broadcast_in_dim3A_0 : vector<16xf32> to vector<1x16xf32>
        tpu.vector_store %arg8[%swap3A, %swap3A_241], %swap3A_244 {strides = array<i32>} : memref<128x64xf32, #tpu.memory_space<vmem>>, vector<1x16xf32>,
      }
      %scan3A_233 = arith.constant 4 : i32
    }
    %scan3A_4 = arith.constant 128 : i32
    %mul3A = arith.constant 640 : i32
    %mul3A_5 = arith.muli %arg1, %mul3A : i32
    %scan3A_6 = arith.constant 0 : i32
    %scan3A_7 = arith.constant 5 : i32
    %scan3A_8 = arith.addi %scan3A_6, %scan3A_7 : i32
    %scan3A_9 = arith.constant 1 : i32
    scf.for %scan3A_225 = %scan3A_6 to %scan3A_8 step %scan3A_9  : i32 {
      %mul3A_226 = arith.constant 1 : i32
      %mul3A_227 = arith.muli %scan3A_225, %mul3A_226 : i32
      %add3A = arith.constant 0 : i32
      %add3A_228 = arith.addi %add3A, %mul3A_227 : i32
      %mul3A_229 = arith.constant 128 : i32
      %mul3A_230 = arith.muli %add3A_228, %mul3A_229 : i32
      %add3A_231 = arith.addi %mul3A_5, %mul3A_230 : i32
      "tpu.region"() ({
        %run_scoped3A = tpu.sem_alloc : memref<!tpu.dma_semaphore, #tpu.memory_space<semaphore_mem>>
        %dma_start3A_232 = arith.constant 0 : i32
        %dma_start3A_233 = tpu.memref_slice %arg13[%add3A_231, %dma_start3A_232] : memref<10240x64xf32, #tpu.memory_space<vmem_shared>> -> memref<128x64xf32, #tpu.memory_space<vmem_shared>>
        %dma_start3A_234 = arith.constant 0 : i32
        %dma_start3A_235 = tpu.memref_slice %arg13[%add3A_231, %dma_start3A_234] : memref<10240x64xf32, #tpu.memory_space<vmem_shared>> -> memref<128x64xf32, #tpu.memory_space<vmem_shared>>
        tpu.enqueue_dma source(%arg8 : memref<128x64xf32, #tpu.memory_space<vmem>>) target(%dma_start3A_235 : memref<128x64xf32, #tpu.memory_space<vmem_shared>>) target_semaphore(%run_scoped3A : memref<!tpu.dma_semaphore, #tpu.memory_space<semaphore_mem>>)
        %dma_wait3A_236 = arith.constant 0 : i32
        %dma_wait3A_237 = tpu.memref_slice %arg13[%add3A_231, %dma_wait3A_236] : memref<10240x64xf32, #tpu.memory_space<vmem_shared>> -> memref<128x64xf32, #tpu.memory_space<vmem_shared>>
        %dma_wait3A_238 = arith.constant 0 : i32
        %dma_wait3A_239 = tpu.memref_slice %arg13[%add3A_231, %dma_wait3A_238] : memref<10240x64xf32, #tpu.memory_space<vmem_shared>> -> memref<128x64xf32, #tpu.memory_space<vmem_shared>>
        tpu.wait_dma2 semaphore(%run_scoped3A : memref<!tpu.dma_semaphore, #tpu.memory_space<semaphore_mem>>) src(%arg8 : memref<128x64xf32, #tpu.memory_space<vmem>>) dst(%dma_wait3A_239 : memref<128x64xf32, #tpu.memory_space<vmem_shared>>)
        tpu.yield
      }) : () -> ()
    }
    %scan3A_10 = arith.constant 5 : i32
    "tpu.region"() ({
      %run_scoped3A = tpu.sem_alloc : memref<!tpu.dma_semaphore, #tpu.memory_space<semaphore_mem>>
      %dma_start3A_225 = arith.constant 0 : i32
      %dma_start3A_226 = tpu.memref_slice %arg12[%mul3A_5, %dma_start3A_225] : memref<10240x64xf32, #tpu.memory_space<vmem_shared>> -> memref<640x64xf32, #tpu.memory_space<vmem_shared>>
      %dma_start3A_227 = arith.constant 0 : i32
      %dma_start3A_228 = tpu.memref_slice %arg2[%arg0, %mul3A_5, %dma_start3A_227] : memref<2x10240x64xf32, #tpu.memory_space<hbm>> -> memref<1x640x64xf32, #tpu.memory_space<hbm>>
      %dma_start3A_229 = tpu.memref_squeeze %dma_start3A_228 : memref<1x640x64xf32, #tpu.memory_space<hbm>> -> memref<640x64xf32, #tpu.memory_space<hbm>>
      tpu.enqueue_dma source(%dma_start3A_229 : memref<640x64xf32, #tpu.memory_space<hbm>>) target(%dma_start3A_226 : memref<640x64xf32, #tpu.memory_space<vmem_shared>>) target_semaphore(%run_scoped3A : memref<!tpu.dma_semaphore, #tpu.memory_space<semaphore_mem>>)
      %dma_wait3A_230 = arith.constant 0 : i32
      %dma_wait3A_231 = tpu.memref_slice %arg12[%mul3A_5, %dma_wait3A_230] : memref<10240x64xf32, #tpu.memory_space<vmem_shared>> -> memref<640x64xf32, #tpu.memory_space<vmem_shared>>
      %dma_wait3A_232 = arith.constant 0 : i32
      %dma_wait3A_233 = tpu.memref_slice %arg2[%arg0, %mul3A_5, %dma_wait3A_232] : memref<2x10240x64xf32, #tpu.memory_space<hbm>> -> memref<1x640x64xf32, #tpu.memory_space<hbm>>
      %dma_wait3A_234 = tpu.memref_squeeze %dma_wait3A_233 : memref<1x640x64xf32, #tpu.memory_space<hbm>> -> memref<640x64xf32, #tpu.memory_space<hbm>>
      tpu.wait_dma2 semaphore(%run_scoped3A : memref<!tpu.dma_semaphore, #tpu.memory_space<semaphore_mem>>) src(%dma_wait3A_234 : memref<640x64xf32, #tpu.memory_space<hbm>>) dst(%dma_wait3A_231 : memref<640x64xf32, #tpu.memory_space<vmem_shared>>)
      tpu.yield
    }) : () -> ()
    %barrier3A = arith.constant 0 : index
    tpu.barrier barrier_id(%barrier3A)
    %dma_start3A = arith.constant 0 : i32
    %dma_start3A_11 = arith.constant 0 : i32
    %dma_start3A_12 = arith.constant 0 : i32
    %dma_start3A_13 = tpu.memref_slice %arg6[%dma_start3A_11, %dma_start3A_12] : memref<8x128xi32, #tpu.memory_space<vmem>> -> memref<1x128xi32, #tpu.memory_space<vmem>>
    %dma_start3A_14 = tpu.memref_squeeze %dma_start3A_13 : memref<1x128xi32, #tpu.memory_space<vmem>> -> memref<128xi32, #tpu.memory_space<vmem>>
    %dma_start3A_15 = arith.constant 0 : i32
    %dma_start3A_16 = tpu.memref_slice %arg3[%arg1, %dma_start3A, %dma_start3A_15] : memref<16x320x128xi32, #tpu.memory_space<hbm>> -> memref<1x1x128xi32, #tpu.memory_space<hbm>>
    %dma_start3A_17 = tpu.memref_squeeze %dma_start3A_16 : memref<1x1x128xi32, #tpu.memory_space<hbm>> -> memref<128xi32, #tpu.memory_space<hbm>>
    %dma_start3A_18 = arith.constant 0 : i32
    %dma_start3A_19 = tpu.memref_slice %arg6[%dma_start3A_11, %dma_start3A_18] : memref<8x128xi32, #tpu.memory_space<vmem>> -> memref<1x128xi32, #tpu.memory_space<vmem>>
    %dma_start3A_20 = tpu.memref_squeeze %dma_start3A_19 : memref<1x128xi32, #tpu.memory_space<vmem>> -> memref<128xi32, #tpu.memory_space<vmem>>
    %dma_start3A_21 = arith.constant 0 : i32
    %dma_start3A_22 = tpu.memref_slice %arg3[%arg1, %dma_start3A, %dma_start3A_21] : memref<16x320x128xi32, #tpu.memory_space<hbm>> -> memref<1x1x128xi32, #tpu.memory_space<hbm>>
    %dma_start3A_23 = tpu.memref_squeeze %dma_start3A_22 : memref<1x1x128xi32, #tpu.memory_space<hbm>> -> memref<128xi32, #tpu.memory_space<hbm>>
    tpu.enqueue_dma source(%dma_start3A_23 : memref<128xi32, #tpu.memory_space<hbm>>) target(%dma_start3A_20 : memref<128xi32, #tpu.memory_space<vmem>>) target_semaphore(%arg22 : memref<!tpu.dma_semaphore, #tpu.memory_space<semaphore_mem>>)
    %dma_start3A_24 = arith.constant 0 : i32
    %dma_start3A_25 = arith.constant 0 : i32
    %dma_start3A_26 = arith.constant 0 : i32
    %dma_start3A_27 = tpu.memref_slice %arg7[%dma_start3A_25, %dma_start3A_26] : memref<8x128xi32, #tpu.memory_space<vmem>> -> memref<1x128xi32, #tpu.memory_space<vmem>>
    %dma_start3A_28 = tpu.memref_squeeze %dma_start3A_27 : memref<1x128xi32, #tpu.memory_space<vmem>> -> memref<128xi32, #tpu.memory_space<vmem>>
    %dma_start3A_29 = arith.constant 0 : i32
    %dma_start3A_30 = tpu.memref_slice %arg4[%arg1, %dma_start3A_24, %dma_start3A_29] : memref<16x320x128xi32, #tpu.memory_space<hbm>> -> memref<1x1x128xi32, #tpu.memory_space<hbm>>
    %dma_start3A_31 = tpu.memref_squeeze %dma_start3A_30 : memref<1x1x128xi32, #tpu.memory_space<hbm>> -> memref<128xi32, #tpu.memory_space<hbm>>
    %dma_start3A_32 = arith.constant 0 : i32
    %dma_start3A_33 = tpu.memref_slice %arg7[%dma_start3A_25, %dma_start3A_32] : memref<8x128xi32, #tpu.memory_space<vmem>> -> memref<1x128xi32, #tpu.memory_space<vmem>>
    %dma_start3A_34 = tpu.memref_squeeze %dma_start3A_33 : memref<1x128xi32, #tpu.memory_space<vmem>> -> memref<128xi32, #tpu.memory_space<vmem>>
    %dma_start3A_35 = arith.constant 0 : i32
    %dma_start3A_36 = tpu.memref_slice %arg4[%arg1, %dma_start3A_24, %dma_start3A_35] : memref<16x320x128xi32, #tpu.memory_space<hbm>> -> memref<1x1x128xi32, #tpu.memory_space<hbm>>
    %dma_start3A_37 = tpu.memref_squeeze %dma_start3A_36 : memref<1x1x128xi32, #tpu.memory_space<hbm>> -> memref<128xi32, #tpu.memory_space<hbm>>
    tpu.enqueue_dma source(%dma_start3A_37 : memref<128xi32, #tpu.memory_space<hbm>>) target(%dma_start3A_34 : memref<128xi32, #tpu.memory_space<vmem>>) target_semaphore(%arg22 : memref<!tpu.dma_semaphore, #tpu.memory_space<semaphore_mem>>)
    %dma_start3A_38 = arith.constant 1 : i32
    %dma_start3A_39 = arith.constant 1 : i32
    %dma_start3A_40 = arith.constant 0 : i32
    %dma_start3A_41 = tpu.memref_slice %arg6[%dma_start3A_39, %dma_start3A_40] : memref<8x128xi32, #tpu.memory_space<vmem>> -> memref<1x128xi32, #tpu.memory_space<vmem>>
    %dma_start3A_42 = tpu.memref_squeeze %dma_start3A_41 : memref<1x128xi32, #tpu.memory_space<vmem>> -> memref<128xi32, #tpu.memory_space<vmem>>
    %dma_start3A_43 = arith.constant 0 : i32
    %dma_start3A_44 = tpu.memref_slice %arg3[%arg1, %dma_start3A_38, %dma_start3A_43] : memref<16x320x128xi32, #tpu.memory_space<hbm>> -> memref<1x1x128xi32, #tpu.memory_space<hbm>>
    %dma_start3A_45 = tpu.memref_squeeze %dma_start3A_44 : memref<1x1x128xi32, #tpu.memory_space<hbm>> -> memref<128xi32, #tpu.memory_space<hbm>>
    %dma_start3A_46 = arith.constant 0 : i32
    %dma_start3A_47 = tpu.memref_slice %arg6[%dma_start3A_39, %dma_start3A_46] : memref<8x128xi32, #tpu.memory_space<vmem>> -> memref<1x128xi32, #tpu.memory_space<vmem>>
    %dma_start3A_48 = tpu.memref_squeeze %dma_start3A_47 : memref<1x128xi32, #tpu.memory_space<vmem>> -> memref<128xi32, #tpu.memory_space<vmem>>
    %dma_start3A_49 = arith.constant 0 : i32
    %dma_start3A_50 = tpu.memref_slice %arg3[%arg1, %dma_start3A_38, %dma_start3A_49] : memref<16x320x128xi32, #tpu.memory_space<hbm>> -> memref<1x1x128xi32, #tpu.memory_space<hbm>>
    %dma_start3A_51 = tpu.memref_squeeze %dma_start3A_50 : memref<1x1x128xi32, #tpu.memory_space<hbm>> -> memref<128xi32, #tpu.memory_space<hbm>>
    tpu.enqueue_dma source(%dma_start3A_51 : memref<128xi32, #tpu.memory_space<hbm>>) target(%dma_start3A_48 : memref<128xi32, #tpu.memory_space<vmem>>) target_semaphore(%arg23 : memref<!tpu.dma_semaphore, #tpu.memory_space<semaphore_mem>>)
    %dma_start3A_52 = arith.constant 1 : i32
    %dma_start3A_53 = arith.constant 1 : i32
    %dma_start3A_54 = arith.constant 0 : i32
    %dma_start3A_55 = tpu.memref_slice %arg7[%dma_start3A_53, %dma_start3A_54] : memref<8x128xi32, #tpu.memory_space<vmem>> -> memref<1x128xi32, #tpu.memory_space<vmem>>
    %dma_start3A_56 = tpu.memref_squeeze %dma_start3A_55 : memref<1x128xi32, #tpu.memory_space<vmem>> -> memref<128xi32, #tpu.memory_space<vmem>>
    %dma_start3A_57 = arith.constant 0 : i32
    %dma_start3A_58 = tpu.memref_slice %arg4[%arg1, %dma_start3A_52, %dma_start3A_57] : memref<16x320x128xi32, #tpu.memory_space<hbm>> -> memref<1x1x128xi32, #tpu.memory_space<hbm>>
    %dma_start3A_59 = tpu.memref_squeeze %dma_start3A_58 : memref<1x1x128xi32, #tpu.memory_space<hbm>> -> memref<128xi32, #tpu.memory_space<hbm>>
    %dma_start3A_60 = arith.constant 0 : i32
    %dma_start3A_61 = tpu.memref_slice %arg7[%dma_start3A_53, %dma_start3A_60] : memref<8x128xi32, #tpu.memory_space<vmem>> -> memref<1x128xi32, #tpu.memory_space<vmem>>
    %dma_start3A_62 = tpu.memref_squeeze %dma_start3A_61 : memref<1x128xi32, #tpu.memory_space<vmem>> -> memref<128xi32, #tpu.memory_space<vmem>>
    %dma_start3A_63 = arith.constant 0 : i32
    %dma_start3A_64 = tpu.memref_slice %arg4[%arg1, %dma_start3A_52, %dma_start3A_63] : memref<16x320x128xi32, #tpu.memory_space<hbm>> -> memref<1x1x128xi32, #tpu.memory_space<hbm>>
    %dma_start3A_65 = tpu.memref_squeeze %dma_start3A_64 : memref<1x1x128xi32, #tpu.memory_space<hbm>> -> memref<128xi32, #tpu.memory_space<hbm>>
    tpu.enqueue_dma source(%dma_start3A_65 : memref<128xi32, #tpu.memory_space<hbm>>) target(%dma_start3A_62 : memref<128xi32, #tpu.memory_space<vmem>>) target_semaphore(%arg23 : memref<!tpu.dma_semaphore, #tpu.memory_space<semaphore_mem>>)
    %dma_start3A_66 = arith.constant 2 : i32
    %dma_start3A_67 = arith.constant 2 : i32
    %dma_start3A_68 = arith.constant 0 : i32
    %dma_start3A_69 = tpu.memref_slice %arg6[%dma_start3A_67, %dma_start3A_68] : memref<8x128xi32, #tpu.memory_space<vmem>> -> memref<1x128xi32, #tpu.memory_space<vmem>>
    %dma_start3A_70 = tpu.memref_squeeze %dma_start3A_69 : memref<1x128xi32, #tpu.memory_space<vmem>> -> memref<128xi32, #tpu.memory_space<vmem>>
    %dma_start3A_71 = arith.constant 0 : i32
    %dma_start3A_72 = tpu.memref_slice %arg3[%arg1, %dma_start3A_66, %dma_start3A_71] : memref<16x320x128xi32, #tpu.memory_space<hbm>> -> memref<1x1x128xi32, #tpu.memory_space<hbm>>
    %dma_start3A_73 = tpu.memref_squeeze %dma_start3A_72 : memref<1x1x128xi32, #tpu.memory_space<hbm>> -> memref<128xi32, #tpu.memory_space<hbm>>
    %dma_start3A_74 = arith.constant 0 : i32
    %dma_start3A_75 = tpu.memref_slice %arg6[%dma_start3A_67, %dma_start3A_74] : memref<8x128xi32, #tpu.memory_space<vmem>> -> memref<1x128xi32, #tpu.memory_space<vmem>>
    %dma_start3A_76 = tpu.memref_squeeze %dma_start3A_75 : memref<1x128xi32, #tpu.memory_space<vmem>> -> memref<128xi32, #tpu.memory_space<vmem>>
    %dma_start3A_77 = arith.constant 0 : i32
    %dma_start3A_78 = tpu.memref_slice %arg3[%arg1, %dma_start3A_66, %dma_start3A_77] : memref<16x320x128xi32, #tpu.memory_space<hbm>> -> memref<1x1x128xi32, #tpu.memory_space<hbm>>
    %dma_start3A_79 = tpu.memref_squeeze %dma_start3A_78 : memref<1x1x128xi32, #tpu.memory_space<hbm>> -> memref<128xi32, #tpu.memory_space<hbm>>
    tpu.enqueue_dma source(%dma_start3A_79 : memref<128xi32, #tpu.memory_space<hbm>>) target(%dma_start3A_76 : memref<128xi32, #tpu.memory_space<vmem>>) target_semaphore(%arg24 : memref<!tpu.dma_semaphore, #tpu.memory_space<semaphore_mem>>)
    %dma_start3A_80 = arith.constant 2 : i32
    %dma_start3A_81 = arith.constant 2 : i32
    %dma_start3A_82 = arith.constant 0 : i32
    %dma_start3A_83 = tpu.memref_slice %arg7[%dma_start3A_81, %dma_start3A_82] : memref<8x128xi32, #tpu.memory_space<vmem>> -> memref<1x128xi32, #tpu.memory_space<vmem>>
    %dma_start3A_84 = tpu.memref_squeeze %dma_start3A_83 : memref<1x128xi32, #tpu.memory_space<vmem>> -> memref<128xi32, #tpu.memory_space<vmem>>
    %dma_start3A_85 = arith.constant 0 : i32
    %dma_start3A_86 = tpu.memref_slice %arg4[%arg1, %dma_start3A_80, %dma_start3A_85] : memref<16x320x128xi32, #tpu.memory_space<hbm>> -> memref<1x1x128xi32, #tpu.memory_space<hbm>>
    %dma_start3A_87 = tpu.memref_squeeze %dma_start3A_86 : memref<1x1x128xi32, #tpu.memory_space<hbm>> -> memref<128xi32, #tpu.memory_space<hbm>>
    %dma_start3A_88 = arith.constant 0 : i32
    %dma_start3A_89 = tpu.memref_slice %arg7[%dma_start3A_81, %dma_start3A_88] : memref<8x128xi32, #tpu.memory_space<vmem>> -> memref<1x128xi32, #tpu.memory_space<vmem>>
    %dma_start3A_90 = tpu.memref_squeeze %dma_start3A_89 : memref<1x128xi32, #tpu.memory_space<vmem>> -> memref<128xi32, #tpu.memory_space<vmem>>
    %dma_start3A_91 = arith.constant 0 : i32
    %dma_start3A_92 = tpu.memref_slice %arg4[%arg1, %dma_start3A_80, %dma_start3A_91] : memref<16x320x128xi32, #tpu.memory_space<hbm>> -> memref<1x1x128xi32, #tpu.memory_space<hbm>>
    %dma_start3A_93 = tpu.memref_squeeze %dma_start3A_92 : memref<1x1x128xi32, #tpu.memory_space<hbm>> -> memref<128xi32, #tpu.memory_space<hbm>>
    tpu.enqueue_dma source(%dma_start3A_93 : memref<128xi32, #tpu.memory_space<hbm>>) target(%dma_start3A_90 : memref<128xi32, #tpu.memory_space<vmem>>) target_semaphore(%arg24 : memref<!tpu.dma_semaphore, #tpu.memory_space<semaphore_mem>>)
    %dma_start3A_94 = arith.constant 3 : i32
    %dma_start3A_95 = arith.constant 3 : i32
    %dma_start3A_96 = arith.constant 0 : i32
    %dma_start3A_97 = tpu.memref_slice %arg6[%dma_start3A_95, %dma_start3A_96] : memref<8x128xi32, #tpu.memory_space<vmem>> -> memref<1x128xi32, #tpu.memory_space<vmem>>
    %dma_start3A_98 = tpu.memref_squeeze %dma_start3A_97 : memref<1x128xi32, #tpu.memory_space<vmem>> -> memref<128xi32, #tpu.memory_space<vmem>>
    %dma_start3A_99 = arith.constant 0 : i32
    %dma_start3A_100 = tpu.memref_slice %arg3[%arg1, %dma_start3A_94, %dma_start3A_99] : memref<16x320x128xi32, #tpu.memory_space<hbm>> -> memref<1x1x128xi32, #tpu.memory_space<hbm>>
    %dma_start3A_101 = tpu.memref_squeeze %dma_start3A_100 : memref<1x1x128xi32, #tpu.memory_space<hbm>> -> memref<128xi32, #tpu.memory_space<hbm>>
    %dma_start3A_102 = arith.constant 0 : i32
    %dma_start3A_103 = tpu.memref_slice %arg6[%dma_start3A_95, %dma_start3A_102] : memref<8x128xi32, #tpu.memory_space<vmem>> -> memref<1x128xi32, #tpu.memory_space<vmem>>
    %dma_start3A_104 = tpu.memref_squeeze %dma_start3A_103 : memref<1x128xi32, #tpu.memory_space<vmem>> -> memref<128xi32, #tpu.memory_space<vmem>>
    %dma_start3A_105 = arith.constant 0 : i32
    %dma_start3A_106 = tpu.memref_slice %arg3[%arg1, %dma_start3A_94, %dma_start3A_105] : memref<16x320x128xi32, #tpu.memory_space<hbm>> -> memref<1x1x128xi32, #tpu.memory_space<hbm>>
    %dma_start3A_107 = tpu.memref_squeeze %dma_start3A_106 : memref<1x1x128xi32, #tpu.memory_space<hbm>> -> memref<128xi32, #tpu.memory_space<hbm>>
    tpu.enqueue_dma source(%dma_start3A_107 : memref<128xi32, #tpu.memory_space<hbm>>) target(%dma_start3A_104 : memref<128xi32, #tpu.memory_space<vmem>>) target_semaphore(%arg25 : memref<!tpu.dma_semaphore, #tpu.memory_space<semaphore_mem>>)
    %dma_start3A_108 = arith.constant 3 : i32
    %dma_start3A_109 = arith.constant 3 : i32
    %dma_start3A_110 = arith.constant 0 : i32
    %dma_start3A_111 = tpu.memref_slice %arg7[%dma_start3A_109, %dma_start3A_110] : memref<8x128xi32, #tpu.memory_space<vmem>> -> memref<1x128xi32, #tpu.memory_space<vmem>>
    %dma_start3A_112 = tpu.memref_squeeze %dma_start3A_111 : memref<1x128xi32, #tpu.memory_space<vmem>> -> memref<128xi32, #tpu.memory_space<vmem>>
    %dma_start3A_113 = arith.constant 0 : i32
    %dma_start3A_114 = tpu.memref_slice %arg4[%arg1, %dma_start3A_108, %dma_start3A_113] : memref<16x320x128xi32, #tpu.memory_space<hbm>> -> memref<1x1x128xi32, #tpu.memory_space<hbm>>
    %dma_start3A_115 = tpu.memref_squeeze %dma_start3A_114 : memref<1x1x128xi32, #tpu.memory_space<hbm>> -> memref<128xi32, #tpu.memory_space<hbm>>
    %dma_start3A_116 = arith.constant 0 : i32
    %dma_start3A_117 = tpu.memref_slice %arg7[%dma_start3A_109, %dma_start3A_116] : memref<8x128xi32, #tpu.memory_space<vmem>> -> memref<1x128xi32, #tpu.memory_space<vmem>>
    %dma_start3A_118 = tpu.memref_squeeze %dma_start3A_117 : memref<1x128xi32, #tpu.memory_space<vmem>> -> memref<128xi32, #tpu.memory_space<vmem>>
    %dma_start3A_119 = arith.constant 0 : i32
    %dma_start3A_120 = tpu.memref_slice %arg4[%arg1, %dma_start3A_108, %dma_start3A_119] : memref<16x320x128xi32, #tpu.memory_space<hbm>> -> memref<1x1x128xi32, #tpu.memory_space<hbm>>
    %dma_start3A_121 = tpu.memref_squeeze %dma_start3A_120 : memref<1x1x128xi32, #tpu.memory_space<hbm>> -> memref<128xi32, #tpu.memory_space<hbm>>
    tpu.enqueue_dma source(%dma_start3A_121 : memref<128xi32, #tpu.memory_space<hbm>>) target(%dma_start3A_118 : memref<128xi32, #tpu.memory_space<vmem>>) target_semaphore(%arg25 : memref<!tpu.dma_semaphore, #tpu.memory_space<semaphore_mem>>)
    %dma_wait3A = arith.constant 0 : i32
    %dma_wait3A_122 = arith.constant 0 : i32
    %dma_wait3A_123 = arith.constant 0 : i32
    %dma_wait3A_124 = tpu.memref_slice %arg6[%dma_wait3A_122, %dma_wait3A_123] : memref<8x128xi32, #tpu.memory_space<vmem>> -> memref<1x128xi32, #tpu.memory_space<vmem>>
    %dma_wait3A_125 = tpu.memref_squeeze %dma_wait3A_124 : memref<1x128xi32, #tpu.memory_space<vmem>> -> memref<128xi32, #tpu.memory_space<vmem>>
    %dma_wait3A_126 = arith.constant 0 : i32
    %dma_wait3A_127 = tpu.memref_slice %arg3[%arg1, %dma_wait3A, %dma_wait3A_126] : memref<16x320x128xi32, #tpu.memory_space<hbm>> -> memref<1x1x128xi32, #tpu.memory_space<hbm>>
    %dma_wait3A_128 = tpu.memref_squeeze %dma_wait3A_127 : memref<1x1x128xi32, #tpu.memory_space<hbm>> -> memref<128xi32, #tpu.memory_space<hbm>>
    %dma_wait3A_129 = arith.constant 0 : i32
    %dma_wait3A_130 = tpu.memref_slice %arg6[%dma_wait3A_122, %dma_wait3A_129] : memref<8x128xi32, #tpu.memory_space<vmem>> -> memref<1x128xi32, #tpu.memory_space<vmem>>
    %dma_wait3A_131 = tpu.memref_squeeze %dma_wait3A_130 : memref<1x128xi32, #tpu.memory_space<vmem>> -> memref<128xi32, #tpu.memory_space<vmem>>
    %dma_wait3A_132 = arith.constant 0 : i32
    %dma_wait3A_133 = tpu.memref_slice %arg3[%arg1, %dma_wait3A, %dma_wait3A_132] : memref<16x320x128xi32, #tpu.memory_space<hbm>> -> memref<1x1x128xi32, #tpu.memory_space<hbm>>
    %dma_wait3A_134 = tpu.memref_squeeze %dma_wait3A_133 : memref<1x1x128xi32, #tpu.memory_space<hbm>> -> memref<128xi32, #tpu.memory_space<hbm>>
    tpu.wait_dma2 semaphore(%arg22 : memref<!tpu.dma_semaphore, #tpu.memory_space<semaphore_mem>>) src(%dma_wait3A_134 : memref<128xi32, #tpu.memory_space<hbm>>) dst(%dma_wait3A_131 : memref<128xi32, #tpu.memory_space<vmem>>)
    %dma_wait3A_135 = arith.constant 0 : i32
    %dma_wait3A_136 = arith.constant 0 : i32
    %dma_wait3A_137 = arith.constant 0 : i32
    %dma_wait3A_138 = tpu.memref_slice %arg7[%dma_wait3A_136, %dma_wait3A_137] : memref<8x128xi32, #tpu.memory_space<vmem>> -> memref<1x128xi32, #tpu.memory_space<vmem>>
    %dma_wait3A_139 = tpu.memref_squeeze %dma_wait3A_138 : memref<1x128xi32, #tpu.memory_space<vmem>> -> memref<128xi32, #tpu.memory_space<vmem>>
    %dma_wait3A_140 = arith.constant 0 : i32
    %dma_wait3A_141 = tpu.memref_slice %arg4[%arg1, %dma_wait3A_135, %dma_wait3A_140] : memref<16x320x128xi32, #tpu.memory_space<hbm>> -> memref<1x1x128xi32, #tpu.memory_space<hbm>>
    %dma_wait3A_142 = tpu.memref_squeeze %dma_wait3A_141 : memref<1x1x128xi32, #tpu.memory_space<hbm>> -> memref<128xi32, #tpu.memory_space<hbm>>
    %dma_wait3A_143 = arith.constant 0 : i32
    %dma_wait3A_144 = tpu.memref_slice %arg7[%dma_wait3A_136, %dma_wait3A_143] : memref<8x128xi32, #tpu.memory_space<vmem>> -> memref<1x128xi32, #tpu.memory_space<vmem>>
    %dma_wait3A_145 = tpu.memref_squeeze %dma_wait3A_144 : memref<1x128xi32, #tpu.memory_space<vmem>> -> memref<128xi32, #tpu.memory_space<vmem>>
    %dma_wait3A_146 = arith.constant 0 : i32
    %dma_wait3A_147 = tpu.memref_slice %arg4[%arg1, %dma_wait3A_135, %dma_wait3A_146] : memref<16x320x128xi32, #tpu.memory_space<hbm>> -> memref<1x1x128xi32, #tpu.memory_space<hbm>>
    %dma_wait3A_148 = tpu.memref_squeeze %dma_wait3A_147 : memref<1x1x128xi32, #tpu.memory_space<hbm>> -> memref<128xi32, #tpu.memory_space<hbm>>
    tpu.wait_dma2 semaphore(%arg22 : memref<!tpu.dma_semaphore, #tpu.memory_space<semaphore_mem>>) src(%dma_wait3A_148 : memref<128xi32, #tpu.memory_space<hbm>>) dst(%dma_wait3A_145 : memref<128xi32, #tpu.memory_space<vmem>>)
    %dma_start3A_149 = arith.constant 0 : i32
    %dma_start3A_150 = arith.constant 0 : i32
    %dma_start3A_151 = tpu.memref_slice %arg7[%dma_start3A_149, %dma_start3A_150] : memref<8x128xi32, #tpu.memory_space<vmem>> -> memref<1x128xi32, #tpu.memory_space<vmem>>
    %dma_start3A_152 = tpu.memref_squeeze %dma_start3A_151 : memref<1x128xi32, #tpu.memory_space<vmem>> -> memref<128xi32, #tpu.memory_space<vmem>>
    %dma_start3A_153 = arith.constant 0 : i32
    %dma_start3A_154 = arith.constant 0 : i32
    %dma_start3A_155 = tpu.memref_slice %arg12[%dma_start3A_153, %dma_start3A_154] : memref<10240x64xf32, #tpu.memory_space<vmem_shared>> -> memref<10240x64xf32, #tpu.memory_space<vmem_shared>>
    tpu.enqueue_indirect_dma source(%dma_start3A_155 : memref<10240x64xf32, #tpu.memory_space<vmem_shared>>) target(%arg8 : memref<128x64xf32, #tpu.memory_space<vmem>>) offsets(%dma_start3A_152 : memref<128xi32, #tpu.memory_space<vmem>>) semaphore(%arg14 : memref<!tpu.dma_semaphore, #tpu.memory_space<semaphore_mem>>)
    %dma_wait3A_156 = arith.constant 1 : i32
    %dma_wait3A_157 = arith.constant 1 : i32
    %dma_wait3A_158 = arith.constant 0 : i32
    %dma_wait3A_159 = tpu.memref_slice %arg6[%dma_wait3A_157, %dma_wait3A_158] : memref<8x128xi32, #tpu.memory_space<vmem>> -> memref<1x128xi32, #tpu.memory_space<vmem>>
    %dma_wait3A_160 = tpu.memref_squeeze %dma_wait3A_159 : memref<1x128xi32, #tpu.memory_space<vmem>> -> memref<128xi32, #tpu.memory_space<vmem>>
    %dma_wait3A_161 = arith.constant 0 : i32
    %dma_wait3A_162 = tpu.memref_slice %arg3[%arg1, %dma_wait3A_156, %dma_wait3A_161] : memref<16x320x128xi32, #tpu.memory_space<hbm>> -> memref<1x1x128xi32, #tpu.memory_space<hbm>>
    %dma_wait3A_163 = tpu.memref_squeeze %dma_wait3A_162 : memref<1x1x128xi32, #tpu.memory_space<hbm>> -> memref<128xi32, #tpu.memory_space<hbm>>
    %dma_wait3A_164 = arith.constant 0 : i32
    %dma_wait3A_165 = tpu.memref_slice %arg6[%dma_wait3A_157, %dma_wait3A_164] : memref<8x128xi32, #tpu.memory_space<vmem>> -> memref<1x128xi32, #tpu.memory_space<vmem>>
    %dma_wait3A_166 = tpu.memref_squeeze %dma_wait3A_165 : memref<1x128xi32, #tpu.memory_space<vmem>> -> memref<128xi32, #tpu.memory_space<vmem>>
    %dma_wait3A_167 = arith.constant 0 : i32
    %dma_wait3A_168 = tpu.memref_slice %arg3[%arg1, %dma_wait3A_156, %dma_wait3A_167] : memref<16x320x128xi32, #tpu.memory_space<hbm>> -> memref<1x1x128xi32, #tpu.memory_space<hbm>>
    %dma_wait3A_169 = tpu.memref_squeeze %dma_wait3A_168 : memref<1x1x128xi32, #tpu.memory_space<hbm>> -> memref<128xi32, #tpu.memory_space<hbm>>
    tpu.wait_dma2 semaphore(%arg23 : memref<!tpu.dma_semaphore, #tpu.memory_space<semaphore_mem>>) src(%dma_wait3A_169 : memref<128xi32, #tpu.memory_space<hbm>>) dst(%dma_wait3A_166 : memref<128xi32, #tpu.memory_space<vmem>>)
    %dma_wait3A_170 = arith.constant 1 : i32
    %dma_wait3A_171 = arith.constant 1 : i32
    %dma_wait3A_172 = arith.constant 0 : i32
    %dma_wait3A_173 = tpu.memref_slice %arg7[%dma_wait3A_171, %dma_wait3A_172] : memref<8x128xi32, #tpu.memory_space<vmem>> -> memref<1x128xi32, #tpu.memory_space<vmem>>
    %dma_wait3A_174 = tpu.memref_squeeze %dma_wait3A_173 : memref<1x128xi32, #tpu.memory_space<vmem>> -> memref<128xi32, #tpu.memory_space<vmem>>
    %dma_wait3A_175 = arith.constant 0 : i32
    %dma_wait3A_176 = tpu.memref_slice %arg4[%arg1, %dma_wait3A_170, %dma_wait3A_175] : memref<16x320x128xi32, #tpu.memory_space<hbm>> -> memref<1x1x128xi32, #tpu.memory_space<hbm>>
    %dma_wait3A_177 = tpu.memref_squeeze %dma_wait3A_176 : memref<1x1x128xi32, #tpu.memory_space<hbm>> -> memref<128xi32, #tpu.memory_space<hbm>>
    %dma_wait3A_178 = arith.constant 0 : i32
    %dma_wait3A_179 = tpu.memref_slice %arg7[%dma_wait3A_171, %dma_wait3A_178] : memref<8x128xi32, #tpu.memory_space<vmem>> -> memref<1x128xi32, #tpu.memory_space<vmem>>
    %dma_wait3A_180 = tpu.memref_squeeze %dma_wait3A_179 : memref<1x128xi32, #tpu.memory_space<vmem>> -> memref<128xi32, #tpu.memory_space<vmem>>
    %dma_wait3A_181 = arith.constant 0 : i32
    %dma_wait3A_182 = tpu.memref_slice %arg4[%arg1, %dma_wait3A_170, %dma_wait3A_181] : memref<16x320x128xi32, #tpu.memory_space<hbm>> -> memref<1x1x128xi32, #tpu.memory_space<hbm>>
    %dma_wait3A_183 = tpu.memref_squeeze %dma_wait3A_182 : memref<1x1x128xi32, #tpu.memory_space<hbm>> -> memref<128xi32, #tpu.memory_space<hbm>>
    tpu.wait_dma2 semaphore(%arg23 : memref<!tpu.dma_semaphore, #tpu.memory_space<semaphore_mem>>) src(%dma_wait3A_183 : memref<128xi32, #tpu.memory_space<hbm>>) dst(%dma_wait3A_180 : memref<128xi32, #tpu.memory_space<vmem>>)
    %dma_start3A_184 = arith.constant 1 : i32
    %dma_start3A_185 = arith.constant 0 : i32
    %dma_start3A_186 = tpu.memref_slice %arg7[%dma_start3A_184, %dma_start3A_185] : memref<8x128xi32, #tpu.memory_space<vmem>> -> memref<1x128xi32, #tpu.memory_space<vmem>>
    %dma_start3A_187 = tpu.memref_squeeze %dma_start3A_186 : memref<1x128xi32, #tpu.memory_space<vmem>> -> memref<128xi32, #tpu.memory_space<vmem>>
    %dma_start3A_188 = arith.constant 0 : i32
    %dma_start3A_189 = arith.constant 0 : i32
    %dma_start3A_190 = tpu.memref_slice %arg12[%dma_start3A_188, %dma_start3A_189] : memref<10240x64xf32, #tpu.memory_space<vmem_shared>> -> memref<10240x64xf32, #tpu.memory_space<vmem_shared>>
    tpu.enqueue_indirect_dma source(%dma_start3A_190 : memref<10240x64xf32, #tpu.memory_space<vmem_shared>>) target(%arg9 : memref<128x64xf32, #tpu.memory_space<vmem>>) offsets(%dma_start3A_187 : memref<128xi32, #tpu.memory_space<vmem>>) semaphore(%arg15 : memref<!tpu.dma_semaphore, #tpu.memory_space<semaphore_mem>>)
    %scan3A_191 = arith.constant 0 : i32
    %scan3A_192 = arith.constant 40 : i32
    %scan3A_193 = arith.addi %scan3A_191, %scan3A_192 : i32
    %scan3A_194 = arith.constant 1 : i32
    scf.for %scan3A_225 = %scan3A_191 to %scan3A_193 step %scan3A_194  : i32 {
      %mul3A_226 = arith.constant 8 : i32
      %mul3A_227 = arith.muli %scan3A_225, %mul3A_226 : i32
      %add3A = arith.constant 0 : i32
      %add3A_228 = arith.addi %add3A, %mul3A_227 : i32
      %add3A_229 = arith.constant 0 : i32
      %add3A_230 = arith.addi %add3A_228, %add3A_229 : i32
      %dma_wait3A_231 = arith.constant 0 : i32
      %dma_wait3A_232 = arith.constant 0 : i32
      %dma_wait3A_233 = tpu.memref_slice %arg7[%dma_wait3A_231, %dma_wait3A_232] : memref<8x128xi32, #tpu.memory_space<vmem>> -> memref<1x128xi32, #tpu.memory_space<vmem>>
      %dma_wait3A_234 = tpu.memref_squeeze %dma_wait3A_233 : memref<1x128xi32, #tpu.memory_space<vmem>> -> memref<128xi32, #tpu.memory_space<vmem>>
      %dma_wait3A_235 = arith.constant 0 : i32
      %dma_wait3A_236 = arith.constant 0 : i32
      %dma_wait3A_237 = tpu.memref_slice %arg12[%dma_wait3A_235, %dma_wait3A_236] : memref<10240x64xf32, #tpu.memory_space<vmem_shared>> -> memref<10240x64xf32, #tpu.memory_space<vmem_shared>>
      tpu.wait_indirect_dma semaphore(%arg14 : memref<!tpu.dma_semaphore, #tpu.memory_space<semaphore_mem>>) src(%dma_wait3A_237 : memref<10240x64xf32, #tpu.memory_space<vmem_shared>>) dst(%arg8 : memref<128x64xf32, #tpu.memory_space<vmem>>)
      %dma_start3A_238 = arith.constant 0 : i32
      %dma_start3A_239 = arith.constant 0 : i32
      %dma_start3A_240 = tpu.memref_slice %arg6[%dma_start3A_238, %dma_start3A_239] : memref<8x128xi32, #tpu.memory_space<vmem>> -> memref<1x128xi32, #tpu.memory_space<vmem>>
      %dma_start3A_241 = tpu.memref_squeeze %dma_start3A_240 : memref<1x128xi32, #tpu.memory_space<vmem>> -> memref<128xi32, #tpu.memory_space<vmem>>
      %dma_start3A_242 = arith.constant 0 : i32
      %dma_start3A_243 = arith.constant 0 : i32
      %dma_start3A_244 = tpu.memref_slice %arg13[%dma_start3A_242, %dma_start3A_243] : memref<10240x64xf32, #tpu.memory_space<vmem_shared>> -> memref<10240x64xf32, #tpu.memory_space<vmem_shared>>
      tpu.enqueue_indirect_dma source(%arg8 : memref<128x64xf32, #tpu.memory_space<vmem>>) target(%dma_start3A_244 : memref<10240x64xf32, #tpu.memory_space<vmem_shared>>) offsets(%dma_start3A_241 : memref<128xi32, #tpu.memory_space<vmem>>) semaphore(%arg18 : memref<!tpu.dma_semaphore, #tpu.memory_space<semaphore_mem>>) {add = true}
      %lt3A = arith.constant 318 : i32
      %lt3A_245 = arith.cmpi slt, %add3A_230, %lt3A : i32
      %convert_element_type3A = arith.extui %lt3A_245 : i1 to i32
      %cond3A = arith.constant 0 : i32
      %cond3A_246 = arith.cmpi ne, %convert_element_type3A, %cond3A : i32
      scf.if %cond3A_246 {
        %ge3A = arith.constant 2 : i32
        %ge3A_394 = arith.cmpi sge, %add3A_230, %ge3A : i32
        %convert_element_type3A_395 = arith.extui %ge3A_394 : i1 to i32
        %cond3A_396 = arith.constant 0 : i32
        %cond3A_397 = arith.cmpi ne, %convert_element_type3A_395, %cond3A_396 : i32
        scf.if %cond3A_397 {
          %dma_wait3A_438 = arith.constant 6 : i32
          %dma_wait3A_439 = arith.constant 0 : i32
          %dma_wait3A_440 = tpu.memref_slice %arg6[%dma_wait3A_438, %dma_wait3A_439] : memref<8x128xi32, #tpu.memory_space<vmem>> -> memref<1x128xi32, #tpu.memory_space<vmem>>
          %dma_wait3A_441 = tpu.memref_squeeze %dma_wait3A_440 : memref<1x128xi32, #tpu.memory_space<vmem>> -> memref<128xi32, #tpu.memory_space<vmem>>
          %dma_wait3A_442 = arith.constant 0 : i32
          %dma_wait3A_443 = arith.constant 0 : i32
          %dma_wait3A_444 = tpu.memref_slice %arg13[%dma_wait3A_442, %dma_wait3A_443] : memref<10240x64xf32, #tpu.memory_space<vmem_shared>> -> memref<10240x64xf32, #tpu.memory_space<vmem_shared>>
          tpu.wait_indirect_dma semaphore(%arg20 : memref<!tpu.dma_semaphore, #tpu.memory_space<semaphore_mem>>) src(%arg10 : memref<128x64xf32, #tpu.memory_space<vmem>>) dst(%dma_wait3A_444 : memref<10240x64xf32, #tpu.memory_space<vmem_shared>>)
        } else {
        }
        %lt3A_398 = arith.constant 316 : i32
        %lt3A_399 = arith.cmpi slt, %add3A_230, %lt3A_398 : i32
        %convert_element_type3A_400 = arith.extui %lt3A_399 : i1 to i32
        %cond3A_401 = arith.constant 0 : i32
        %cond3A_402 = arith.cmpi ne, %convert_element_type3A_400, %cond3A_401 : i32
        scf.if %cond3A_402 {
          %add3A_438 = arith.constant 4 : i32
          %add3A_439 = arith.addi %add3A_230, %add3A_438 : i32
          %dma_start3A_440 = arith.constant 4 : i32
          %dma_start3A_441 = arith.constant 0 : i32
          %dma_start3A_442 = tpu.memref_slice %arg6[%dma_start3A_440, %dma_start3A_441] : memref<8x128xi32, #tpu.memory_space<vmem>> -> memref<1x128xi32, #tpu.memory_space<vmem>>
          %dma_start3A_443 = tpu.memref_squeeze %dma_start3A_442 : memref<1x128xi32, #tpu.memory_space<vmem>> -> memref<128xi32, #tpu.memory_space<vmem>>
          %dma_start3A_444 = arith.constant 0 : i32
          %dma_start3A_445 = tpu.memref_slice %arg3[%arg1, %add3A_439, %dma_start3A_444] : memref<16x320x128xi32, #tpu.memory_space<hbm>> -> memref<1x1x128xi32, #tpu.memory_space<hbm>>
          %dma_start3A_446 = tpu.memref_squeeze %dma_start3A_445 : memref<1x1x128xi32, #tpu.memory_space<hbm>> -> memref<128xi32, #tpu.memory_space<hbm>>
          %dma_start3A_447 = arith.constant 0 : i32
          %dma_start3A_448 = tpu.memref_slice %arg6[%dma_start3A_440, %dma_start3A_447] : memref<8x128xi32, #tpu.memory_space<vmem>> -> memref<1x128xi32, #tpu.memory_space<vmem>>
          %dma_start3A_449 = tpu.memref_squeeze %dma_start3A_448 : memref<1x128xi32, #tpu.memory_space<vmem>> -> memref<128xi32, #tpu.memory_space<vmem>>
          %dma_start3A_450 = arith.constant 0 : i32
          %dma_start3A_451 = tpu.memref_slice %arg3[%arg1, %add3A_439, %dma_start3A_450] : memref<16x320x128xi32, #tpu.memory_space<hbm>> -> memref<1x1x128xi32, #tpu.memory_space<hbm>>
          %dma_start3A_452 = tpu.memref_squeeze %dma_start3A_451 : memref<1x1x128xi32, #tpu.memory_space<hbm>> -> memref<128xi32, #tpu.memory_space<hbm>>
          tpu.enqueue_dma source(%dma_start3A_452 : memref<128xi32, #tpu.memory_space<hbm>>) target(%dma_start3A_449 : memref<128xi32, #tpu.memory_space<vmem>>) target_semaphore(%arg26 : memref<!tpu.dma_semaphore, #tpu.memory_space<semaphore_mem>>)
          %dma_start3A_453 = arith.constant 4 : i32
          %dma_start3A_454 = arith.constant 0 : i32
          %dma_start3A_455 = tpu.memref_slice %arg7[%dma_start3A_453, %dma_start3A_454] : memref<8x128xi32, #tpu.memory_space<vmem>> -> memref<1x128xi32, #tpu.memory_space<vmem>>
          %dma_start3A_456 = tpu.memref_squeeze %dma_start3A_455 : memref<1x128xi32, #tpu.memory_space<vmem>> -> memref<128xi32, #tpu.memory_space<vmem>>
          %dma_start3A_457 = arith.constant 0 : i32
          %dma_start3A_458 = tpu.memref_slice %arg4[%arg1, %add3A_439, %dma_start3A_457] : memref<16x320x128xi32, #tpu.memory_space<hbm>> -> memref<1x1x128xi32, #tpu.memory_space<hbm>>
          %dma_start3A_459 = tpu.memref_squeeze %dma_start3A_458 : memref<1x1x128xi32, #tpu.memory_space<hbm>> -> memref<128xi32, #tpu.memory_space<hbm>>
          %dma_start3A_460 = arith.constant 0 : i32
          %dma_start3A_461 = tpu.memref_slice %arg7[%dma_start3A_453, %dma_start3A_460] : memref<8x128xi32, #tpu.memory_space<vmem>> -> memref<1x128xi32, #tpu.memory_space<vmem>>
          %dma_start3A_462 = tpu.memref_squeeze %dma_start3A_461 : memref<1x128xi32, #tpu.memory_space<vmem>> -> memref<128xi32, #tpu.memory_space<vmem>>
          %dma_start3A_463 = arith.constant 0 : i32
          %dma_start3A_464 = tpu.memref_slice %arg4[%arg1, %add3A_439, %dma_start3A_463] : memref<16x320x128xi32, #tpu.memory_space<hbm>> -> memref<1x1x128xi32, #tpu.memory_space<hbm>>
          %dma_start3A_465 = tpu.memref_squeeze %dma_start3A_464 : memref<1x1x128xi32, #tpu.memory_space<hbm>> -> memref<128xi32, #tpu.memory_space<hbm>>
          tpu.enqueue_dma source(%dma_start3A_465 : memref<128xi32, #tpu.memory_space<hbm>>) target(%dma_start3A_462 : memref<128xi32, #tpu.memory_space<vmem>>) target_semaphore(%arg26 : memref<!tpu.dma_semaphore, #tpu.memory_space<semaphore_mem>>)
        } else {
        }
        %add3A_403 = arith.constant 2 : i32
        %add3A_404 = arith.addi %add3A_230, %add3A_403 : i32
        %dma_wait3A_405 = arith.constant 2 : i32
        %dma_wait3A_406 = arith.constant 0 : i32
        %dma_wait3A_407 = tpu.memref_slice %arg6[%dma_wait3A_405, %dma_wait3A_406] : memref<8x128xi32, #tpu.memory_space<vmem>> -> memref<1x128xi32, #tpu.memory_space<vmem>>
        %dma_wait3A_408 = tpu.memref_squeeze %dma_wait3A_407 : memref<1x128xi32, #tpu.memory_space<vmem>> -> memref<128xi32, #tpu.memory_space<vmem>>
        %dma_wait3A_409 = arith.constant 0 : i32
        %dma_wait3A_410 = tpu.memref_slice %arg3[%arg1, %add3A_404, %dma_wait3A_409] : memref<16x320x128xi32, #tpu.memory_space<hbm>> -> memref<1x1x128xi32, #tpu.memory_space<hbm>>
        %dma_wait3A_411 = tpu.memref_squeeze %dma_wait3A_410 : memref<1x1x128xi32, #tpu.memory_space<hbm>> -> memref<128xi32, #tpu.memory_space<hbm>>
        %dma_wait3A_412 = arith.constant 0 : i32
        %dma_wait3A_413 = tpu.memref_slice %arg6[%dma_wait3A_405, %dma_wait3A_412] : memref<8x128xi32, #tpu.memory_space<vmem>> -> memref<1x128xi32, #tpu.memory_space<vmem>>
        %dma_wait3A_414 = tpu.memref_squeeze %dma_wait3A_413 : memref<1x128xi32, #tpu.memory_space<vmem>> -> memref<128xi32, #tpu.memory_space<vmem>>
        %dma_wait3A_415 = arith.constant 0 : i32
        %dma_wait3A_416 = tpu.memref_slice %arg3[%arg1, %add3A_404, %dma_wait3A_415] : memref<16x320x128xi32, #tpu.memory_space<hbm>> -> memref<1x1x128xi32, #tpu.memory_space<hbm>>
        %dma_wait3A_417 = tpu.memref_squeeze %dma_wait3A_416 : memref<1x1x128xi32, #tpu.memory_space<hbm>> -> memref<128xi32, #tpu.memory_space<hbm>>
        tpu.wait_dma2 semaphore(%arg24 : memref<!tpu.dma_semaphore, #tpu.memory_space<semaphore_mem>>) src(%dma_wait3A_417 : memref<128xi32, #tpu.memory_space<hbm>>) dst(%dma_wait3A_414 : memref<128xi32, #tpu.memory_space<vmem>>)
        %dma_wait3A_418 = arith.constant 2 : i32
        %dma_wait3A_419 = arith.constant 0 : i32
        %dma_wait3A_420 = tpu.memref_slice %arg7[%dma_wait3A_418, %dma_wait3A_419] : memref<8x128xi32, #tpu.memory_space<vmem>> -> memref<1x128xi32, #tpu.memory_space<vmem>>
        %dma_wait3A_421 = tpu.memref_squeeze %dma_wait3A_420 : memref<1x128xi32, #tpu.memory_space<vmem>> -> memref<128xi32, #tpu.memory_space<vmem>>
        %dma_wait3A_422 = arith.constant 0 : i32
        %dma_wait3A_423 = tpu.memref_slice %arg4[%arg1, %add3A_404, %dma_wait3A_422] : memref<16x320x128xi32, #tpu.memory_space<hbm>> -> memref<1x1x128xi32, #tpu.memory_space<hbm>>
        %dma_wait3A_424 = tpu.memref_squeeze %dma_wait3A_423 : memref<1x1x128xi32, #tpu.memory_space<hbm>> -> memref<128xi32, #tpu.memory_space<hbm>>
        %dma_wait3A_425 = arith.constant 0 : i32
        %dma_wait3A_426 = tpu.memref_slice %arg7[%dma_wait3A_418, %dma_wait3A_425] : memref<8x128xi32, #tpu.memory_space<vmem>> -> memref<1x128xi32, #tpu.memory_space<vmem>>
        %dma_wait3A_427 = tpu.memref_squeeze %dma_wait3A_426 : memref<1x128xi32, #tpu.memory_space<vmem>> -> memref<128xi32, #tpu.memory_space<vmem>>
        %dma_wait3A_428 = arith.constant 0 : i32
        %dma_wait3A_429 = tpu.memref_slice %arg4[%arg1, %add3A_404, %dma_wait3A_428] : memref<16x320x128xi32, #tpu.memory_space<hbm>> -> memref<1x1x128xi32, #tpu.memory_space<hbm>>
        %dma_wait3A_430 = tpu.memref_squeeze %dma_wait3A_429 : memref<1x1x128xi32, #tpu.memory_space<hbm>> -> memref<128xi32, #tpu.memory_space<hbm>>
        tpu.wait_dma2 semaphore(%arg24 : memref<!tpu.dma_semaphore, #tpu.memory_space<semaphore_mem>>) src(%dma_wait3A_430 : memref<128xi32, #tpu.memory_space<hbm>>) dst(%dma_wait3A_427 : memref<128xi32, #tpu.memory_space<vmem>>)
        %dma_start3A_431 = arith.constant 2 : i32
        %dma_start3A_432 = arith.constant 0 : i32
        %dma_start3A_433 = tpu.memref_slice %arg7[%dma_start3A_431, %dma_start3A_432] : memref<8x128xi32, #tpu.memory_space<vmem>> -> memref<1x128xi32, #tpu.memory_space<vmem>>
        %dma_start3A_434 = tpu.memref_squeeze %dma_start3A_433 : memref<1x128xi32, #tpu.memory_space<vmem>> -> memref<128xi32, #tpu.memory_space<vmem>>
        %dma_start3A_435 = arith.constant 0 : i32
        %dma_start3A_436 = arith.constant 0 : i32
        %dma_start3A_437 = tpu.memref_slice %arg12[%dma_start3A_435, %dma_start3A_436] : memref<10240x64xf32, #tpu.memory_space<vmem_shared>> -> memref<10240x64xf32, #tpu.memory_space<vmem_shared>>
        tpu.enqueue_indirect_dma source(%dma_start3A_437 : memref<10240x64xf32, #tpu.memory_space<vmem_shared>>) target(%arg10 : memref<128x64xf32, #tpu.memory_space<vmem>>) offsets(%dma_start3A_434 : memref<128xi32, #tpu.memory_space<vmem>>) semaphore(%arg16 : memref<!tpu.dma_semaphore, #tpu.memory_space<semaphore_mem>>)
      } else {
      }
      %add3A_247 = arith.constant 1 : i32
      %add3A_248 = arith.addi %add3A_228, %add3A_247 : i32
      %dma_wait3A_249 = arith.constant 1 : i32
      %dma_wait3A_250 = arith.constant 0 : i32
      %dma_wait3A_251 = tpu.memref_slice %arg7[%dma_wait3A_249, %dma_wait3A_250] : memref<8x128xi32, #tpu.memory_space<vmem>> -> memref<1x128xi32, #tpu.memory_space<vmem>>
      %dma_wait3A_252 = tpu.memref_squeeze %dma_wait3A_251 : memref<1x128xi32, #tpu.memory_space<vmem>> -> memref<128xi32, #tpu.memory_space<vmem>>
      %dma_wait3A_253 = arith.constant 0 : i32
      %dma_wait3A_254 = arith.constant 0 : i32
      %dma_wait3A_255 = tpu.memref_slice %arg12[%dma_wait3A_253, %dma_wait3A_254] : memref<10240x64xf32, #tpu.memory_space<vmem_shared>> -> memref<10240x64xf32, #tpu.memory_space<vmem_shared>>
      tpu.wait_indirect_dma semaphore(%arg15 : memref<!tpu.dma_semaphore, #tpu.memory_space<semaphore_mem>>) src(%dma_wait3A_255 : memref<10240x64xf32, #tpu.memory_space<vmem_shared>>) dst(%arg9 : memref<128x64xf32, #tpu.memory_space<vmem>>)
      %dma_start3A_256 = arith.constant 1 : i32
      %dma_start3A_257 = arith.constant 0 : i32
      %dma_start3A_258 = tpu.memref_slice %arg6[%dma_start3A_256, %dma_start3A_257] : memref<8x128xi32, #tpu.memory_space<vmem>> -> memref<1x128xi32, #tpu.memory_space<vmem>>
      %dma_start3A_259 = tpu.memref_squeeze %dma_start3A_258 : memref<1x128xi32, #tpu.memory_space<vmem>> -> memref<128xi32, #tpu.memory_space<vmem>>
      %dma_start3A_260 = arith.constant 0 : i32
      %dma_start3A_261 = arith.constant 0 : i32
      %dma_start3A_262 = tpu.memref_slice %arg13[%dma_start3A_260, %dma_start3A_261] : memref<10240x64xf32, #tpu.memory_space<vmem_shared>> -> memref<10240x64xf32, #tpu.memory_space<vmem_shared>>
      tpu.enqueue_indirect_dma source(%arg9 : memref<128x64xf32, #tpu.memory_space<vmem>>) target(%dma_start3A_262 : memref<10240x64xf32, #tpu.memory_space<vmem_shared>>) offsets(%dma_start3A_259 : memref<128xi32, #tpu.memory_space<vmem>>) semaphore(%arg19 : memref<!tpu.dma_semaphore, #tpu.memory_space<semaphore_mem>>) {add = true}
      %lt3A_263 = arith.constant 318 : i32
      %lt3A_264 = arith.cmpi slt, %add3A_248, %lt3A_263 : i32
      %convert_element_type3A_265 = arith.extui %lt3A_264 : i1 to i32
      %cond3A_266 = arith.constant 0 : i32
      %cond3A_267 = arith.cmpi ne, %convert_element_type3A_265, %cond3A_266 : i32
      scf.if %cond3A_267 {
        %ge3A = arith.constant 2 : i32
        %ge3A_394 = arith.cmpi sge, %add3A_248, %ge3A : i32
        %convert_element_type3A_395 = arith.extui %ge3A_394 : i1 to i32
        %cond3A_396 = arith.constant 0 : i32
        %cond3A_397 = arith.cmpi ne, %convert_element_type3A_395, %cond3A_396 : i32
        scf.if %cond3A_397 {
          %dma_wait3A_438 = arith.constant 7 : i32
          %dma_wait3A_439 = arith.constant 0 : i32
          %dma_wait3A_440 = tpu.memref_slice %arg6[%dma_wait3A_438, %dma_wait3A_439] : memref<8x128xi32, #tpu.memory_space<vmem>> -> memref<1x128xi32, #tpu.memory_space<vmem>>
          %dma_wait3A_441 = tpu.memref_squeeze %dma_wait3A_440 : memref<1x128xi32, #tpu.memory_space<vmem>> -> memref<128xi32, #tpu.memory_space<vmem>>
          %dma_wait3A_442 = arith.constant 0 : i32
          %dma_wait3A_443 = arith.constant 0 : i32
          %dma_wait3A_444 = tpu.memref_slice %arg13[%dma_wait3A_442, %dma_wait3A_443] : memref<10240x64xf32, #tpu.memory_space<vmem_shared>> -> memref<10240x64xf32, #tpu.memory_space<vmem_shared>>
          tpu.wait_indirect_dma semaphore(%arg21 : memref<!tpu.dma_semaphore, #tpu.memory_space<semaphore_mem>>) src(%arg11 : memref<128x64xf32, #tpu.memory_space<vmem>>) dst(%dma_wait3A_444 : memref<10240x64xf32, #tpu.memory_space<vmem_shared>>)
        } else {
        }
        %lt3A_398 = arith.constant 316 : i32
        %lt3A_399 = arith.cmpi slt, %add3A_248, %lt3A_398 : i32
        %convert_element_type3A_400 = arith.extui %lt3A_399 : i1 to i32
        %cond3A_401 = arith.constant 0 : i32
        %cond3A_402 = arith.cmpi ne, %convert_element_type3A_400, %cond3A_401 : i32
        scf.if %cond3A_402 {
          %add3A_438 = arith.constant 4 : i32
          %add3A_439 = arith.addi %add3A_248, %add3A_438 : i32
          %dma_start3A_440 = arith.constant 5 : i32
          %dma_start3A_441 = arith.constant 0 : i32
          %dma_start3A_442 = tpu.memref_slice %arg6[%dma_start3A_440, %dma_start3A_441] : memref<8x128xi32, #tpu.memory_space<vmem>> -> memref<1x128xi32, #tpu.memory_space<vmem>>
          %dma_start3A_443 = tpu.memref_squeeze %dma_start3A_442 : memref<1x128xi32, #tpu.memory_space<vmem>> -> memref<128xi32, #tpu.memory_space<vmem>>
          %dma_start3A_444 = arith.constant 0 : i32
          %dma_start3A_445 = tpu.memref_slice %arg3[%arg1, %add3A_439, %dma_start3A_444] : memref<16x320x128xi32, #tpu.memory_space<hbm>> -> memref<1x1x128xi32, #tpu.memory_space<hbm>>
          %dma_start3A_446 = tpu.memref_squeeze %dma_start3A_445 : memref<1x1x128xi32, #tpu.memory_space<hbm>> -> memref<128xi32, #tpu.memory_space<hbm>>
          %dma_start3A_447 = arith.constant 0 : i32
          %dma_start3A_448 = tpu.memref_slice %arg6[%dma_start3A_440, %dma_start3A_447] : memref<8x128xi32, #tpu.memory_space<vmem>> -> memref<1x128xi32, #tpu.memory_space<vmem>>
          %dma_start3A_449 = tpu.memref_squeeze %dma_start3A_448 : memref<1x128xi32, #tpu.memory_space<vmem>> -> memref<128xi32, #tpu.memory_space<vmem>>
          %dma_start3A_450 = arith.constant 0 : i32
          %dma_start3A_451 = tpu.memref_slice %arg3[%arg1, %add3A_439, %dma_start3A_450] : memref<16x320x128xi32, #tpu.memory_space<hbm>> -> memref<1x1x128xi32, #tpu.memory_space<hbm>>
          %dma_start3A_452 = tpu.memref_squeeze %dma_start3A_451 : memref<1x1x128xi32, #tpu.memory_space<hbm>> -> memref<128xi32, #tpu.memory_space<hbm>>
          tpu.enqueue_dma source(%dma_start3A_452 : memref<128xi32, #tpu.memory_space<hbm>>) target(%dma_start3A_449 : memref<128xi32, #tpu.memory_space<vmem>>) target_semaphore(%arg27 : memref<!tpu.dma_semaphore, #tpu.memory_space<semaphore_mem>>)
          %dma_start3A_453 = arith.constant 5 : i32
          %dma_start3A_454 = arith.constant 0 : i32
          %dma_start3A_455 = tpu.memref_slice %arg7[%dma_start3A_453, %dma_start3A_454] : memref<8x128xi32, #tpu.memory_space<vmem>> -> memref<1x128xi32, #tpu.memory_space<vmem>>
          %dma_start3A_456 = tpu.memref_squeeze %dma_start3A_455 : memref<1x128xi32, #tpu.memory_space<vmem>> -> memref<128xi32, #tpu.memory_space<vmem>>
          %dma_start3A_457 = arith.constant 0 : i32
          %dma_start3A_458 = tpu.memref_slice %arg4[%arg1, %add3A_439, %dma_start3A_457] : memref<16x320x128xi32, #tpu.memory_space<hbm>> -> memref<1x1x128xi32, #tpu.memory_space<hbm>>
          %dma_start3A_459 = tpu.memref_squeeze %dma_start3A_458 : memref<1x1x128xi32, #tpu.memory_space<hbm>> -> memref<128xi32, #tpu.memory_space<hbm>>
          %dma_start3A_460 = arith.constant 0 : i32
          %dma_start3A_461 = tpu.memref_slice %arg7[%dma_start3A_453, %dma_start3A_460] : memref<8x128xi32, #tpu.memory_space<vmem>> -> memref<1x128xi32, #tpu.memory_space<vmem>>
          %dma_start3A_462 = tpu.memref_squeeze %dma_start3A_461 : memref<1x128xi32, #tpu.memory_space<vmem>> -> memref<128xi32, #tpu.memory_space<vmem>>
          %dma_start3A_463 = arith.constant 0 : i32
          %dma_start3A_464 = tpu.memref_slice %arg4[%arg1, %add3A_439, %dma_start3A_463] : memref<16x320x128xi32, #tpu.memory_space<hbm>> -> memref<1x1x128xi32, #tpu.memory_space<hbm>>
          %dma_start3A_465 = tpu.memref_squeeze %dma_start3A_464 : memref<1x1x128xi32, #tpu.memory_space<hbm>> -> memref<128xi32, #tpu.memory_space<hbm>>
          tpu.enqueue_dma source(%dma_start3A_465 : memref<128xi32, #tpu.memory_space<hbm>>) target(%dma_start3A_462 : memref<128xi32, #tpu.memory_space<vmem>>) target_semaphore(%arg27 : memref<!tpu.dma_semaphore, #tpu.memory_space<semaphore_mem>>)
        } else {
        }
        %add3A_403 = arith.constant 2 : i32
        %add3A_404 = arith.addi %add3A_248, %add3A_403 : i32
        %dma_wait3A_405 = arith.constant 3 : i32
        %dma_wait3A_406 = arith.constant 0 : i32
        %dma_wait3A_407 = tpu.memref_slice %arg6[%dma_wait3A_405, %dma_wait3A_406] : memref<8x128xi32, #tpu.memory_space<vmem>> -> memref<1x128xi32, #tpu.memory_space<vmem>>
        %dma_wait3A_408 = tpu.memref_squeeze %dma_wait3A_407 : memref<1x128xi32, #tpu.memory_space<vmem>> -> memref<128xi32, #tpu.memory_space<vmem>>
        %dma_wait3A_409 = arith.constant 0 : i32
        %dma_wait3A_410 = tpu.memref_slice %arg3[%arg1, %add3A_404, %dma_wait3A_409] : memref<16x320x128xi32, #tpu.memory_space<hbm>> -> memref<1x1x128xi32, #tpu.memory_space<hbm>>
        %dma_wait3A_411 = tpu.memref_squeeze %dma_wait3A_410 : memref<1x1x128xi32, #tpu.memory_space<hbm>> -> memref<128xi32, #tpu.memory_space<hbm>>
        %dma_wait3A_412 = arith.constant 0 : i32
        %dma_wait3A_413 = tpu.memref_slice %arg6[%dma_wait3A_405, %dma_wait3A_412] : memref<8x128xi32, #tpu.memory_space<vmem>> -> memref<1x128xi32, #tpu.memory_space<vmem>>
        %dma_wait3A_414 = tpu.memref_squeeze %dma_wait3A_413 : memref<1x128xi32, #tpu.memory_space<vmem>> -> memref<128xi32, #tpu.memory_space<vmem>>
        %dma_wait3A_415 = arith.constant 0 : i32
        %dma_wait3A_416 = tpu.memref_slice %arg3[%arg1, %add3A_404, %dma_wait3A_415] : memref<16x320x128xi32, #tpu.memory_space<hbm>> -> memref<1x1x128xi32, #tpu.memory_space<hbm>>
        %dma_wait3A_417 = tpu.memref_squeeze %dma_wait3A_416 : memref<1x1x128xi32, #tpu.memory_space<hbm>> -> memref<128xi32, #tpu.memory_space<hbm>>
        tpu.wait_dma2 semaphore(%arg25 : memref<!tpu.dma_semaphore, #tpu.memory_space<semaphore_mem>>) src(%dma_wait3A_417 : memref<128xi32, #tpu.memory_space<hbm>>) dst(%dma_wait3A_414 : memref<128xi32, #tpu.memory_space<vmem>>)
        %dma_wait3A_418 = arith.constant 3 : i32
        %dma_wait3A_419 = arith.constant 0 : i32
        %dma_wait3A_420 = tpu.memref_slice %arg7[%dma_wait3A_418, %dma_wait3A_419] : memref<8x128xi32, #tpu.memory_space<vmem>> -> memref<1x128xi32, #tpu.memory_space<vmem>>
        %dma_wait3A_421 = tpu.memref_squeeze %dma_wait3A_420 : memref<1x128xi32, #tpu.memory_space<vmem>> -> memref<128xi32, #tpu.memory_space<vmem>>
        %dma_wait3A_422 = arith.constant 0 : i32
        %dma_wait3A_423 = tpu.memref_slice %arg4[%arg1, %add3A_404, %dma_wait3A_422] : memref<16x320x128xi32, #tpu.memory_space<hbm>> -> memref<1x1x128xi32, #tpu.memory_space<hbm>>
        %dma_wait3A_424 = tpu.memref_squeeze %dma_wait3A_423 : memref<1x1x128xi32, #tpu.memory_space<hbm>> -> memref<128xi32, #tpu.memory_space<hbm>>
        %dma_wait3A_425 = arith.constant 0 : i32
        %dma_wait3A_426 = tpu.memref_slice %arg7[%dma_wait3A_418, %dma_wait3A_425] : memref<8x128xi32, #tpu.memory_space<vmem>> -> memref<1x128xi32, #tpu.memory_space<vmem>>
        %dma_wait3A_427 = tpu.memref_squeeze %dma_wait3A_426 : memref<1x128xi32, #tpu.memory_space<vmem>> -> memref<128xi32, #tpu.memory_space<vmem>>
        %dma_wait3A_428 = arith.constant 0 : i32
        %dma_wait3A_429 = tpu.memref_slice %arg4[%arg1, %add3A_404, %dma_wait3A_428] : memref<16x320x128xi32, #tpu.memory_space<hbm>> -> memref<1x1x128xi32, #tpu.memory_space<hbm>>
        %dma_wait3A_430 = tpu.memref_squeeze %dma_wait3A_429 : memref<1x1x128xi32, #tpu.memory_space<hbm>> -> memref<128xi32, #tpu.memory_space<hbm>>
        tpu.wait_dma2 semaphore(%arg25 : memref<!tpu.dma_semaphore, #tpu.memory_space<semaphore_mem>>) src(%dma_wait3A_430 : memref<128xi32, #tpu.memory_space<hbm>>) dst(%dma_wait3A_427 : memref<128xi32, #tpu.memory_space<vmem>>)
        %dma_start3A_431 = arith.constant 3 : i32
        %dma_start3A_432 = arith.constant 0 : i32
        %dma_start3A_433 = tpu.memref_slice %arg7[%dma_start3A_431, %dma_start3A_432] : memref<8x128xi32, #tpu.memory_space<vmem>> -> memref<1x128xi32, #tpu.memory_space<vmem>>
        %dma_start3A_434 = tpu.memref_squeeze %dma_start3A_433 : memref<1x128xi32, #tpu.memory_space<vmem>> -> memref<128xi32, #tpu.memory_space<vmem>>
        %dma_start3A_435 = arith.constant 0 : i32
        %dma_start3A_436 = arith.constant 0 : i32
        %dma_start3A_437 = tpu.memref_slice %arg12[%dma_start3A_435, %dma_start3A_436] : memref<10240x64xf32, #tpu.memory_space<vmem_shared>> -> memref<10240x64xf32, #tpu.memory_space<vmem_shared>>
        tpu.enqueue_indirect_dma source(%dma_start3A_437 : memref<10240x64xf32, #tpu.memory_space<vmem_shared>>) target(%arg11 : memref<128x64xf32, #tpu.memory_space<vmem>>) offsets(%dma_start3A_434 : memref<128xi32, #tpu.memory_space<vmem>>) semaphore(%arg17 : memref<!tpu.dma_semaphore, #tpu.memory_space<semaphore_mem>>)
      } else {
      }
      %add3A_268 = arith.constant 2 : i32
      %add3A_269 = arith.addi %add3A_228, %add3A_268 : i32
      %dma_wait3A_270 = arith.constant 2 : i32
      %dma_wait3A_271 = arith.constant 0 : i32
      %dma_wait3A_272 = tpu.memref_slice %arg7[%dma_wait3A_270, %dma_wait3A_271] : memref<8x128xi32, #tpu.memory_space<vmem>> -> memref<1x128xi32, #tpu.memory_space<vmem>>
      %dma_wait3A_273 = tpu.memref_squeeze %dma_wait3A_272 : memref<1x128xi32, #tpu.memory_space<vmem>> -> memref<128xi32, #tpu.memory_space<vmem>>
      %dma_wait3A_274 = arith.constant 0 : i32
      %dma_wait3A_275 = arith.constant 0 : i32
      %dma_wait3A_276 = tpu.memref_slice %arg12[%dma_wait3A_274, %dma_wait3A_275] : memref<10240x64xf32, #tpu.memory_space<vmem_shared>> -> memref<10240x64xf32, #tpu.memory_space<vmem_shared>>
      tpu.wait_indirect_dma semaphore(%arg16 : memref<!tpu.dma_semaphore, #tpu.memory_space<semaphore_mem>>) src(%dma_wait3A_276 : memref<10240x64xf32, #tpu.memory_space<vmem_shared>>) dst(%arg10 : memref<128x64xf32, #tpu.memory_space<vmem>>)
      %dma_start3A_277 = arith.constant 2 : i32
      %dma_start3A_278 = arith.constant 0 : i32
      %dma_start3A_279 = tpu.memref_slice %arg6[%dma_start3A_277, %dma_start3A_278] : memref<8x128xi32, #tpu.memory_space<vmem>> -> memref<1x128xi32, #tpu.memory_space<vmem>>
      %dma_start3A_280 = tpu.memref_squeeze %dma_start3A_279 : memref<1x128xi32, #tpu.memory_space<vmem>> -> memref<128xi32, #tpu.memory_space<vmem>>
      %dma_start3A_281 = arith.constant 0 : i32
      %dma_start3A_282 = arith.constant 0 : i32
      %dma_start3A_283 = tpu.memref_slice %arg13[%dma_start3A_281, %dma_start3A_282] : memref<10240x64xf32, #tpu.memory_space<vmem_shared>> -> memref<10240x64xf32, #tpu.memory_space<vmem_shared>>
      tpu.enqueue_indirect_dma source(%arg10 : memref<128x64xf32, #tpu.memory_space<vmem>>) target(%dma_start3A_283 : memref<10240x64xf32, #tpu.memory_space<vmem_shared>>) offsets(%dma_start3A_280 : memref<128xi32, #tpu.memory_space<vmem>>) semaphore(%arg20 : memref<!tpu.dma_semaphore, #tpu.memory_space<semaphore_mem>>) {add = true}
      %lt3A_284 = arith.constant 318 : i32
      %lt3A_285 = arith.cmpi slt, %add3A_269, %lt3A_284 : i32
      %convert_element_type3A_286 = arith.extui %lt3A_285 : i1 to i32
      %cond3A_287 = arith.constant 0 : i32
      %cond3A_288 = arith.cmpi ne, %convert_element_type3A_286, %cond3A_287 : i32
      scf.if %cond3A_288 {
        %ge3A = arith.constant 2 : i32
        %ge3A_394 = arith.cmpi sge, %add3A_269, %ge3A : i32
        %convert_element_type3A_395 = arith.extui %ge3A_394 : i1 to i32
        %cond3A_396 = arith.constant 0 : i32
        %cond3A_397 = arith.cmpi ne, %convert_element_type3A_395, %cond3A_396 : i32
        scf.if %cond3A_397 {
          %dma_wait3A_438 = arith.constant 0 : i32
          %dma_wait3A_439 = arith.constant 0 : i32
          %dma_wait3A_440 = tpu.memref_slice %arg6[%dma_wait3A_438, %dma_wait3A_439] : memref<8x128xi32, #tpu.memory_space<vmem>> -> memref<1x128xi32, #tpu.memory_space<vmem>>
          %dma_wait3A_441 = tpu.memref_squeeze %dma_wait3A_440 : memref<1x128xi32, #tpu.memory_space<vmem>> -> memref<128xi32, #tpu.memory_space<vmem>>
          %dma_wait3A_442 = arith.constant 0 : i32
          %dma_wait3A_443 = arith.constant 0 : i32
          %dma_wait3A_444 = tpu.memref_slice %arg13[%dma_wait3A_442, %dma_wait3A_443] : memref<10240x64xf32, #tpu.memory_space<vmem_shared>> -> memref<10240x64xf32, #tpu.memory_space<vmem_shared>>
          tpu.wait_indirect_dma semaphore(%arg18 : memref<!tpu.dma_semaphore, #tpu.memory_space<semaphore_mem>>) src(%arg8 : memref<128x64xf32, #tpu.memory_space<vmem>>) dst(%dma_wait3A_444 : memref<10240x64xf32, #tpu.memory_space<vmem_shared>>)
        } else {
        }
        %lt3A_398 = arith.constant 316 : i32
        %lt3A_399 = arith.cmpi slt, %add3A_269, %lt3A_398 : i32
        %convert_element_type3A_400 = arith.extui %lt3A_399 : i1 to i32
        %cond3A_401 = arith.constant 0 : i32
        %cond3A_402 = arith.cmpi ne, %convert_element_type3A_400, %cond3A_401 : i32
        scf.if %cond3A_402 {
          %add3A_438 = arith.constant 4 : i32
          %add3A_439 = arith.addi %add3A_269, %add3A_438 : i32
          %dma_start3A_440 = arith.constant 6 : i32
          %dma_start3A_441 = arith.constant 0 : i32
          %dma_start3A_442 = tpu.memref_slice %arg6[%dma_start3A_440, %dma_start3A_441] : memref<8x128xi32, #tpu.memory_space<vmem>> -> memref<1x128xi32, #tpu.memory_space<vmem>>
          %dma_start3A_443 = tpu.memref_squeeze %dma_start3A_442 : memref<1x128xi32, #tpu.memory_space<vmem>> -> memref<128xi32, #tpu.memory_space<vmem>>
          %dma_start3A_444 = arith.constant 0 : i32
          %dma_start3A_445 = tpu.memref_slice %arg3[%arg1, %add3A_439, %dma_start3A_444] : memref<16x320x128xi32, #tpu.memory_space<hbm>> -> memref<1x1x128xi32, #tpu.memory_space<hbm>>
          %dma_start3A_446 = tpu.memref_squeeze %dma_start3A_445 : memref<1x1x128xi32, #tpu.memory_space<hbm>> -> memref<128xi32, #tpu.memory_space<hbm>>
          %dma_start3A_447 = arith.constant 0 : i32
          %dma_start3A_448 = tpu.memref_slice %arg6[%dma_start3A_440, %dma_start3A_447] : memref<8x128xi32, #tpu.memory_space<vmem>> -> memref<1x128xi32, #tpu.memory_space<vmem>>
          %dma_start3A_449 = tpu.memref_squeeze %dma_start3A_448 : memref<1x128xi32, #tpu.memory_space<vmem>> -> memref<128xi32, #tpu.memory_space<vmem>>
          %dma_start3A_450 = arith.constant 0 : i32
          %dma_start3A_451 = tpu.memref_slice %arg3[%arg1, %add3A_439, %dma_start3A_450] : memref<16x320x128xi32, #tpu.memory_space<hbm>> -> memref<1x1x128xi32, #tpu.memory_space<hbm>>
          %dma_start3A_452 = tpu.memref_squeeze %dma_start3A_451 : memref<1x1x128xi32, #tpu.memory_space<hbm>> -> memref<128xi32, #tpu.memory_space<hbm>>
          tpu.enqueue_dma source(%dma_start3A_452 : memref<128xi32, #tpu.memory_space<hbm>>) target(%dma_start3A_449 : memref<128xi32, #tpu.memory_space<vmem>>) target_semaphore(%arg28 : memref<!tpu.dma_semaphore, #tpu.memory_space<semaphore_mem>>)
          %dma_start3A_453 = arith.constant 6 : i32
          %dma_start3A_454 = arith.constant 0 : i32
          %dma_start3A_455 = tpu.memref_slice %arg7[%dma_start3A_453, %dma_start3A_454] : memref<8x128xi32, #tpu.memory_space<vmem>> -> memref<1x128xi32, #tpu.memory_space<vmem>>
          %dma_start3A_456 = tpu.memref_squeeze %dma_start3A_455 : memref<1x128xi32, #tpu.memory_space<vmem>> -> memref<128xi32, #tpu.memory_space<vmem>>
          %dma_start3A_457 = arith.constant 0 : i32
          %dma_start3A_458 = tpu.memref_slice %arg4[%arg1, %add3A_439, %dma_start3A_457] : memref<16x320x128xi32, #tpu.memory_space<hbm>> -> memref<1x1x128xi32, #tpu.memory_space<hbm>>
          %dma_start3A_459 = tpu.memref_squeeze %dma_start3A_458 : memref<1x1x128xi32, #tpu.memory_space<hbm>> -> memref<128xi32, #tpu.memory_space<hbm>>
          %dma_start3A_460 = arith.constant 0 : i32
          %dma_start3A_461 = tpu.memref_slice %arg7[%dma_start3A_453, %dma_start3A_460] : memref<8x128xi32, #tpu.memory_space<vmem>> -> memref<1x128xi32, #tpu.memory_space<vmem>>
          %dma_start3A_462 = tpu.memref_squeeze %dma_start3A_461 : memref<1x128xi32, #tpu.memory_space<vmem>> -> memref<128xi32, #tpu.memory_space<vmem>>
          %dma_start3A_463 = arith.constant 0 : i32
          %dma_start3A_464 = tpu.memref_slice %arg4[%arg1, %add3A_439, %dma_start3A_463] : memref<16x320x128xi32, #tpu.memory_space<hbm>> -> memref<1x1x128xi32, #tpu.memory_space<hbm>>
          %dma_start3A_465 = tpu.memref_squeeze %dma_start3A_464 : memref<1x1x128xi32, #tpu.memory_space<hbm>> -> memref<128xi32, #tpu.memory_space<hbm>>
          tpu.enqueue_dma source(%dma_start3A_465 : memref<128xi32, #tpu.memory_space<hbm>>) target(%dma_start3A_462 : memref<128xi32, #tpu.memory_space<vmem>>) target_semaphore(%arg28 : memref<!tpu.dma_semaphore, #tpu.memory_space<semaphore_mem>>)
        } else {
        }
        %add3A_403 = arith.constant 2 : i32
        %add3A_404 = arith.addi %add3A_269, %add3A_403 : i32
        %dma_wait3A_405 = arith.constant 4 : i32
        %dma_wait3A_406 = arith.constant 0 : i32
        %dma_wait3A_407 = tpu.memref_slice %arg6[%dma_wait3A_405, %dma_wait3A_406] : memref<8x128xi32, #tpu.memory_space<vmem>> -> memref<1x128xi32, #tpu.memory_space<vmem>>
        %dma_wait3A_408 = tpu.memref_squeeze %dma_wait3A_407 : memref<1x128xi32, #tpu.memory_space<vmem>> -> memref<128xi32, #tpu.memory_space<vmem>>
        %dma_wait3A_409 = arith.constant 0 : i32
        %dma_wait3A_410 = tpu.memref_slice %arg3[%arg1, %add3A_404, %dma_wait3A_409] : memref<16x320x128xi32, #tpu.memory_space<hbm>> -> memref<1x1x128xi32, #tpu.memory_space<hbm>>
        %dma_wait3A_411 = tpu.memref_squeeze %dma_wait3A_410 : memref<1x1x128xi32, #tpu.memory_space<hbm>> -> memref<128xi32, #tpu.memory_space<hbm>>
        %dma_wait3A_412 = arith.constant 0 : i32
        %dma_wait3A_413 = tpu.memref_slice %arg6[%dma_wait3A_405, %dma_wait3A_412] : memref<8x128xi32, #tpu.memory_space<vmem>> -> memref<1x128xi32, #tpu.memory_space<vmem>>
        %dma_wait3A_414 = tpu.memref_squeeze %dma_wait3A_413 : memref<1x128xi32, #tpu.memory_space<vmem>> -> memref<128xi32, #tpu.memory_space<vmem>>
        %dma_wait3A_415 = arith.constant 0 : i32
        %dma_wait3A_416 = tpu.memref_slice %arg3[%arg1, %add3A_404, %dma_wait3A_415] : memref<16x320x128xi32, #tpu.memory_space<hbm>> -> memref<1x1x128xi32, #tpu.memory_space<hbm>>
        %dma_wait3A_417 = tpu.memref_squeeze %dma_wait3A_416 : memref<1x1x128xi32, #tpu.memory_space<hbm>> -> memref<128xi32, #tpu.memory_space<hbm>>
        tpu.wait_dma2 semaphore(%arg26 : memref<!tpu.dma_semaphore, #tpu.memory_space<semaphore_mem>>) src(%dma_wait3A_417 : memref<128xi32, #tpu.memory_space<hbm>>) dst(%dma_wait3A_414 : memref<128xi32, #tpu.memory_space<vmem>>)
        %dma_wait3A_418 = arith.constant 4 : i32
        %dma_wait3A_419 = arith.constant 0 : i32
        %dma_wait3A_420 = tpu.memref_slice %arg7[%dma_wait3A_418, %dma_wait3A_419] : memref<8x128xi32, #tpu.memory_space<vmem>> -> memref<1x128xi32, #tpu.memory_space<vmem>>
        %dma_wait3A_421 = tpu.memref_squeeze %dma_wait3A_420 : memref<1x128xi32, #tpu.memory_space<vmem>> -> memref<128xi32, #tpu.memory_space<vmem>>
        %dma_wait3A_422 = arith.constant 0 : i32
        %dma_wait3A_423 = tpu.memref_slice %arg4[%arg1, %add3A_404, %dma_wait3A_422] : memref<16x320x128xi32, #tpu.memory_space<hbm>> -> memref<1x1x128xi32, #tpu.memory_space<hbm>>
        %dma_wait3A_424 = tpu.memref_squeeze %dma_wait3A_423 : memref<1x1x128xi32, #tpu.memory_space<hbm>> -> memref<128xi32, #tpu.memory_space<hbm>>
        %dma_wait3A_425 = arith.constant 0 : i32
        %dma_wait3A_426 = tpu.memref_slice %arg7[%dma_wait3A_418, %dma_wait3A_425] : memref<8x128xi32, #tpu.memory_space<vmem>> -> memref<1x128xi32, #tpu.memory_space<vmem>>
        %dma_wait3A_427 = tpu.memref_squeeze %dma_wait3A_426 : memref<1x128xi32, #tpu.memory_space<vmem>> -> memref<128xi32, #tpu.memory_space<vmem>>
        %dma_wait3A_428 = arith.constant 0 : i32
        %dma_wait3A_429 = tpu.memref_slice %arg4[%arg1, %add3A_404, %dma_wait3A_428] : memref<16x320x128xi32, #tpu.memory_space<hbm>> -> memref<1x1x128xi32, #tpu.memory_space<hbm>>
        %dma_wait3A_430 = tpu.memref_squeeze %dma_wait3A_429 : memref<1x1x128xi32, #tpu.memory_space<hbm>> -> memref<128xi32, #tpu.memory_space<hbm>>
        tpu.wait_dma2 semaphore(%arg26 : memref<!tpu.dma_semaphore, #tpu.memory_space<semaphore_mem>>) src(%dma_wait3A_430 : memref<128xi32, #tpu.memory_space<hbm>>) dst(%dma_wait3A_427 : memref<128xi32, #tpu.memory_space<vmem>>)
        %dma_start3A_431 = arith.constant 4 : i32
        %dma_start3A_432 = arith.constant 0 : i32
        %dma_start3A_433 = tpu.memref_slice %arg7[%dma_start3A_431, %dma_start3A_432] : memref<8x128xi32, #tpu.memory_space<vmem>> -> memref<1x128xi32, #tpu.memory_space<vmem>>
        %dma_start3A_434 = tpu.memref_squeeze %dma_start3A_433 : memref<1x128xi32, #tpu.memory_space<vmem>> -> memref<128xi32, #tpu.memory_space<vmem>>
        %dma_start3A_435 = arith.constant 0 : i32
        %dma_start3A_436 = arith.constant 0 : i32
        %dma_start3A_437 = tpu.memref_slice %arg12[%dma_start3A_435, %dma_start3A_436] : memref<10240x64xf32, #tpu.memory_space<vmem_shared>> -> memref<10240x64xf32, #tpu.memory_space<vmem_shared>>
        tpu.enqueue_indirect_dma source(%dma_start3A_437 : memref<10240x64xf32, #tpu.memory_space<vmem_shared>>) target(%arg8 : memref<128x64xf32, #tpu.memory_space<vmem>>) offsets(%dma_start3A_434 : memref<128xi32, #tpu.memory_space<vmem>>) semaphore(%arg14 : memref<!tpu.dma_semaphore, #tpu.memory_space<semaphore_mem>>)
      } else {
      }
      %add3A_289 = arith.constant 3 : i32
      %add3A_290 = arith.addi %add3A_228, %add3A_289 : i32
      %dma_wait3A_291 = arith.constant 3 : i32
      %dma_wait3A_292 = arith.constant 0 : i32
      %dma_wait3A_293 = tpu.memref_slice %arg7[%dma_wait3A_291, %dma_wait3A_292] : memref<8x128xi32, #tpu.memory_space<vmem>> -> memref<1x128xi32, #tpu.memory_space<vmem>>
      %dma_wait3A_294 = tpu.memref_squeeze %dma_wait3A_293 : memref<1x128xi32, #tpu.memory_space<vmem>> -> memref<128xi32, #tpu.memory_space<vmem>>
      %dma_wait3A_295 = arith.constant 0 : i32
      %dma_wait3A_296 = arith.constant 0 : i32
      %dma_wait3A_297 = tpu.memref_slice %arg12[%dma_wait3A_295, %dma_wait3A_296] : memref<10240x64xf32, #tpu.memory_space<vmem_shared>> -> memref<10240x64xf32, #tpu.memory_space<vmem_shared>>
      tpu.wait_indirect_dma semaphore(%arg17 : memref<!tpu.dma_semaphore, #tpu.memory_space<semaphore_mem>>) src(%dma_wait3A_297 : memref<10240x64xf32, #tpu.memory_space<vmem_shared>>) dst(%arg11 : memref<128x64xf32, #tpu.memory_space<vmem>>)
      %dma_start3A_298 = arith.constant 3 : i32
      %dma_start3A_299 = arith.constant 0 : i32
      %dma_start3A_300 = tpu.memref_slice %arg6[%dma_start3A_298, %dma_start3A_299] : memref<8x128xi32, #tpu.memory_space<vmem>> -> memref<1x128xi32, #tpu.memory_space<vmem>>
      %dma_start3A_301 = tpu.memref_squeeze %dma_start3A_300 : memref<1x128xi32, #tpu.memory_space<vmem>> -> memref<128xi32, #tpu.memory_space<vmem>>
      %dma_start3A_302 = arith.constant 0 : i32
      %dma_start3A_303 = arith.constant 0 : i32
      %dma_start3A_304 = tpu.memref_slice %arg13[%dma_start3A_302, %dma_start3A_303] : memref<10240x64xf32, #tpu.memory_space<vmem_shared>> -> memref<10240x64xf32, #tpu.memory_space<vmem_shared>>
      tpu.enqueue_indirect_dma source(%arg11 : memref<128x64xf32, #tpu.memory_space<vmem>>) target(%dma_start3A_304 : memref<10240x64xf32, #tpu.memory_space<vmem_shared>>) offsets(%dma_start3A_301 : memref<128xi32, #tpu.memory_space<vmem>>) semaphore(%arg21 : memref<!tpu.dma_semaphore, #tpu.memory_space<semaphore_mem>>) {add = true}
      %lt3A_305 = arith.constant 318 : i32
      %lt3A_306 = arith.cmpi slt, %add3A_290, %lt3A_305 : i32
      %convert_element_type3A_307 = arith.extui %lt3A_306 : i1 to i32
      %cond3A_308 = arith.constant 0 : i32
      %cond3A_309 = arith.cmpi ne, %convert_element_type3A_307, %cond3A_308 : i32
      scf.if %cond3A_309 {
        %ge3A = arith.constant 2 : i32
        %ge3A_394 = arith.cmpi sge, %add3A_290, %ge3A : i32
        %convert_element_type3A_395 = arith.extui %ge3A_394 : i1 to i32
        %cond3A_396 = arith.constant 0 : i32
        %cond3A_397 = arith.cmpi ne, %convert_element_type3A_395, %cond3A_396 : i32
        scf.if %cond3A_397 {
          %dma_wait3A_438 = arith.constant 1 : i32
          %dma_wait3A_439 = arith.constant 0 : i32
          %dma_wait3A_440 = tpu.memref_slice %arg6[%dma_wait3A_438, %dma_wait3A_439] : memref<8x128xi32, #tpu.memory_space<vmem>> -> memref<1x128xi32, #tpu.memory_space<vmem>>
          %dma_wait3A_441 = tpu.memref_squeeze %dma_wait3A_440 : memref<1x128xi32, #tpu.memory_space<vmem>> -> memref<128xi32, #tpu.memory_space<vmem>>
          %dma_wait3A_442 = arith.constant 0 : i32
          %dma_wait3A_443 = arith.constant 0 : i32
          %dma_wait3A_444 = tpu.memref_slice %arg13[%dma_wait3A_442, %dma_wait3A_443] : memref<10240x64xf32, #tpu.memory_space<vmem_shared>> -> memref<10240x64xf32, #tpu.memory_space<vmem_shared>>
          tpu.wait_indirect_dma semaphore(%arg19 : memref<!tpu.dma_semaphore, #tpu.memory_space<semaphore_mem>>) src(%arg9 : memref<128x64xf32, #tpu.memory_space<vmem>>) dst(%dma_wait3A_444 : memref<10240x64xf32, #tpu.memory_space<vmem_shared>>)
        } else {
        }
        %lt3A_398 = arith.constant 316 : i32
        %lt3A_399 = arith.cmpi slt, %add3A_290, %lt3A_398 : i32
        %convert_element_type3A_400 = arith.extui %lt3A_399 : i1 to i32
        %cond3A_401 = arith.constant 0 : i32
        %cond3A_402 = arith.cmpi ne, %convert_element_type3A_400, %cond3A_401 : i32
        scf.if %cond3A_402 {
          %add3A_438 = arith.constant 4 : i32
          %add3A_439 = arith.addi %add3A_290, %add3A_438 : i32
          %dma_start3A_440 = arith.constant 7 : i32
          %dma_start3A_441 = arith.constant 0 : i32
          %dma_start3A_442 = tpu.memref_slice %arg6[%dma_start3A_440, %dma_start3A_441] : memref<8x128xi32, #tpu.memory_space<vmem>> -> memref<1x128xi32, #tpu.memory_space<vmem>>
          %dma_start3A_443 = tpu.memref_squeeze %dma_start3A_442 : memref<1x128xi32, #tpu.memory_space<vmem>> -> memref<128xi32, #tpu.memory_space<vmem>>
          %dma_start3A_444 = arith.constant 0 : i32
          %dma_start3A_445 = tpu.memref_slice %arg3[%arg1, %add3A_439, %dma_start3A_444] : memref<16x320x128xi32, #tpu.memory_space<hbm>> -> memref<1x1x128xi32, #tpu.memory_space<hbm>>
          %dma_start3A_446 = tpu.memref_squeeze %dma_start3A_445 : memref<1x1x128xi32, #tpu.memory_space<hbm>> -> memref<128xi32, #tpu.memory_space<hbm>>
          %dma_start3A_447 = arith.constant 0 : i32
          %dma_start3A_448 = tpu.memref_slice %arg6[%dma_start3A_440, %dma_start3A_447] : memref<8x128xi32, #tpu.memory_space<vmem>> -> memref<1x128xi32, #tpu.memory_space<vmem>>
          %dma_start3A_449 = tpu.memref_squeeze %dma_start3A_448 : memref<1x128xi32, #tpu.memory_space<vmem>> -> memref<128xi32, #tpu.memory_space<vmem>>
          %dma_start3A_450 = arith.constant 0 : i32
          %dma_start3A_451 = tpu.memref_slice %arg3[%arg1, %add3A_439, %dma_start3A_450] : memref<16x320x128xi32, #tpu.memory_space<hbm>> -> memref<1x1x128xi32, #tpu.memory_space<hbm>>
          %dma_start3A_452 = tpu.memref_squeeze %dma_start3A_451 : memref<1x1x128xi32, #tpu.memory_space<hbm>> -> memref<128xi32, #tpu.memory_space<hbm>>
          tpu.enqueue_dma source(%dma_start3A_452 : memref<128xi32, #tpu.memory_space<hbm>>) target(%dma_start3A_449 : memref<128xi32, #tpu.memory_space<vmem>>) target_semaphore(%arg29 : memref<!tpu.dma_semaphore, #tpu.memory_space<semaphore_mem>>)
          %dma_start3A_453 = arith.constant 7 : i32
          %dma_start3A_454 = arith.constant 0 : i32
          %dma_start3A_455 = tpu.memref_slice %arg7[%dma_start3A_453, %dma_start3A_454] : memref<8x128xi32, #tpu.memory_space<vmem>> -> memref<1x128xi32, #tpu.memory_space<vmem>>
          %dma_start3A_456 = tpu.memref_squeeze %dma_start3A_455 : memref<1x128xi32, #tpu.memory_space<vmem>> -> memref<128xi32, #tpu.memory_space<vmem>>
          %dma_start3A_457 = arith.constant 0 : i32
          %dma_start3A_458 = tpu.memref_slice %arg4[%arg1, %add3A_439, %dma_start3A_457] : memref<16x320x128xi32, #tpu.memory_space<hbm>> -> memref<1x1x128xi32, #tpu.memory_space<hbm>>
          %dma_start3A_459 = tpu.memref_squeeze %dma_start3A_458 : memref<1x1x128xi32, #tpu.memory_space<hbm>> -> memref<128xi32, #tpu.memory_space<hbm>>
          %dma_start3A_460 = arith.constant 0 : i32
          %dma_start3A_461 = tpu.memref_slice %arg7[%dma_start3A_453, %dma_start3A_460] : memref<8x128xi32, #tpu.memory_space<vmem>> -> memref<1x128xi32, #tpu.memory_space<vmem>>
          %dma_start3A_462 = tpu.memref_squeeze %dma_start3A_461 : memref<1x128xi32, #tpu.memory_space<vmem>> -> memref<128xi32, #tpu.memory_space<vmem>>
          %dma_start3A_463 = arith.constant 0 : i32
          %dma_start3A_464 = tpu.memref_slice %arg4[%arg1, %add3A_439, %dma_start3A_463] : memref<16x320x128xi32, #tpu.memory_space<hbm>> -> memref<1x1x128xi32, #tpu.memory_space<hbm>>
          %dma_start3A_465 = tpu.memref_squeeze %dma_start3A_464 : memref<1x1x128xi32, #tpu.memory_space<hbm>> -> memref<128xi32, #tpu.memory_space<hbm>>
          tpu.enqueue_dma source(%dma_start3A_465 : memref<128xi32, #tpu.memory_space<hbm>>) target(%dma_start3A_462 : memref<128xi32, #tpu.memory_space<vmem>>) target_semaphore(%arg29 : memref<!tpu.dma_semaphore, #tpu.memory_space<semaphore_mem>>)
        } else {
        }
        %add3A_403 = arith.constant 2 : i32
        %add3A_404 = arith.addi %add3A_290, %add3A_403 : i32
        %dma_wait3A_405 = arith.constant 5 : i32
        %dma_wait3A_406 = arith.constant 0 : i32
        %dma_wait3A_407 = tpu.memref_slice %arg6[%dma_wait3A_405, %dma_wait3A_406] : memref<8x128xi32, #tpu.memory_space<vmem>> -> memref<1x128xi32, #tpu.memory_space<vmem>>
        %dma_wait3A_408 = tpu.memref_squeeze %dma_wait3A_407 : memref<1x128xi32, #tpu.memory_space<vmem>> -> memref<128xi32, #tpu.memory_space<vmem>>
        %dma_wait3A_409 = arith.constant 0 : i32
        %dma_wait3A_410 = tpu.memref_slice %arg3[%arg1, %add3A_404, %dma_wait3A_409] : memref<16x320x128xi32, #tpu.memory_space<hbm>> -> memref<1x1x128xi32, #tpu.memory_space<hbm>>
        %dma_wait3A_411 = tpu.memref_squeeze %dma_wait3A_410 : memref<1x1x128xi32, #tpu.memory_space<hbm>> -> memref<128xi32, #tpu.memory_space<hbm>>
        %dma_wait3A_412 = arith.constant 0 : i32
        %dma_wait3A_413 = tpu.memref_slice %arg6[%dma_wait3A_405, %dma_wait3A_412] : memref<8x128xi32, #tpu.memory_space<vmem>> -> memref<1x128xi32, #tpu.memory_space<vmem>>
        %dma_wait3A_414 = tpu.memref_squeeze %dma_wait3A_413 : memref<1x128xi32, #tpu.memory_space<vmem>> -> memref<128xi32, #tpu.memory_space<vmem>>
        %dma_wait3A_415 = arith.constant 0 : i32
        %dma_wait3A_416 = tpu.memref_slice %arg3[%arg1, %add3A_404, %dma_wait3A_415] : memref<16x320x128xi32, #tpu.memory_space<hbm>> -> memref<1x1x128xi32, #tpu.memory_space<hbm>>
        %dma_wait3A_417 = tpu.memref_squeeze %dma_wait3A_416 : memref<1x1x128xi32, #tpu.memory_space<hbm>> -> memref<128xi32, #tpu.memory_space<hbm>>
        tpu.wait_dma2 semaphore(%arg27 : memref<!tpu.dma_semaphore, #tpu.memory_space<semaphore_mem>>) src(%dma_wait3A_417 : memref<128xi32, #tpu.memory_space<hbm>>) dst(%dma_wait3A_414 : memref<128xi32, #tpu.memory_space<vmem>>)
        %dma_wait3A_418 = arith.constant 5 : i32
        %dma_wait3A_419 = arith.constant 0 : i32
        %dma_wait3A_420 = tpu.memref_slice %arg7[%dma_wait3A_418, %dma_wait3A_419] : memref<8x128xi32, #tpu.memory_space<vmem>> -> memref<1x128xi32, #tpu.memory_space<vmem>>
        %dma_wait3A_421 = tpu.memref_squeeze %dma_wait3A_420 : memref<1x128xi32, #tpu.memory_space<vmem>> -> memref<128xi32, #tpu.memory_space<vmem>>
        %dma_wait3A_422 = arith.constant 0 : i32
        %dma_wait3A_423 = tpu.memref_slice %arg4[%arg1, %add3A_404, %dma_wait3A_422] : memref<16x320x128xi32, #tpu.memory_space<hbm>> -> memref<1x1x128xi32, #tpu.memory_space<hbm>>
        %dma_wait3A_424 = tpu.memref_squeeze %dma_wait3A_423 : memref<1x1x128xi32, #tpu.memory_space<hbm>> -> memref<128xi32, #tpu.memory_space<hbm>>
        %dma_wait3A_425 = arith.constant 0 : i32
        %dma_wait3A_426 = tpu.memref_slice %arg7[%dma_wait3A_418, %dma_wait3A_425] : memref<8x128xi32, #tpu.memory_space<vmem>> -> memref<1x128xi32, #tpu.memory_space<vmem>>
        %dma_wait3A_427 = tpu.memref_squeeze %dma_wait3A_426 : memref<1x128xi32, #tpu.memory_space<vmem>> -> memref<128xi32, #tpu.memory_space<vmem>>
        %dma_wait3A_428 = arith.constant 0 : i32
        %dma_wait3A_429 = tpu.memref_slice %arg4[%arg1, %add3A_404, %dma_wait3A_428] : memref<16x320x128xi32, #tpu.memory_space<hbm>> -> memref<1x1x128xi32, #tpu.memory_space<hbm>>
        %dma_wait3A_430 = tpu.memref_squeeze %dma_wait3A_429 : memref<1x1x128xi32, #tpu.memory_space<hbm>> -> memref<128xi32, #tpu.memory_space<hbm>>
        tpu.wait_dma2 semaphore(%arg27 : memref<!tpu.dma_semaphore, #tpu.memory_space<semaphore_mem>>) src(%dma_wait3A_430 : memref<128xi32, #tpu.memory_space<hbm>>) dst(%dma_wait3A_427 : memref<128xi32, #tpu.memory_space<vmem>>)
        %dma_start3A_431 = arith.constant 5 : i32
        %dma_start3A_432 = arith.constant 0 : i32
        %dma_start3A_433 = tpu.memref_slice %arg7[%dma_start3A_431, %dma_start3A_432] : memref<8x128xi32, #tpu.memory_space<vmem>> -> memref<1x128xi32, #tpu.memory_space<vmem>>
        %dma_start3A_434 = tpu.memref_squeeze %dma_start3A_433 : memref<1x128xi32, #tpu.memory_space<vmem>> -> memref<128xi32, #tpu.memory_space<vmem>>
        %dma_start3A_435 = arith.constant 0 : i32
        %dma_start3A_436 = arith.constant 0 : i32
        %dma_start3A_437 = tpu.memref_slice %arg12[%dma_start3A_435, %dma_start3A_436] : memref<10240x64xf32, #tpu.memory_space<vmem_shared>> -> memref<10240x64xf32, #tpu.memory_space<vmem_shared>>
        tpu.enqueue_indirect_dma source(%dma_start3A_437 : memref<10240x64xf32, #tpu.memory_space<vmem_shared>>) target(%arg9 : memref<128x64xf32, #tpu.memory_space<vmem>>) offsets(%dma_start3A_434 : memref<128xi32, #tpu.memory_space<vmem>>) semaphore(%arg15 : memref<!tpu.dma_semaphore, #tpu.memory_space<semaphore_mem>>)
      } else {
      }
      %add3A_310 = arith.constant 4 : i32
      %add3A_311 = arith.addi %add3A_228, %add3A_310 : i32
      %dma_wait3A_312 = arith.constant 4 : i32
      %dma_wait3A_313 = arith.constant 0 : i32
      %dma_wait3A_314 = tpu.memref_slice %arg7[%dma_wait3A_312, %dma_wait3A_313] : memref<8x128xi32, #tpu.memory_space<vmem>> -> memref<1x128xi32, #tpu.memory_space<vmem>>
      %dma_wait3A_315 = tpu.memref_squeeze %dma_wait3A_314 : memref<1x128xi32, #tpu.memory_space<vmem>> -> memref<128xi32, #tpu.memory_space<vmem>>
      %dma_wait3A_316 = arith.constant 0 : i32
      %dma_wait3A_317 = arith.constant 0 : i32
      %dma_wait3A_318 = tpu.memref_slice %arg12[%dma_wait3A_316, %dma_wait3A_317] : memref<10240x64xf32, #tpu.memory_space<vmem_shared>> -> memref<10240x64xf32, #tpu.memory_space<vmem_shared>>
      tpu.wait_indirect_dma semaphore(%arg14 : memref<!tpu.dma_semaphore, #tpu.memory_space<semaphore_mem>>) src(%dma_wait3A_318 : memref<10240x64xf32, #tpu.memory_space<vmem_shared>>) dst(%arg8 : memref<128x64xf32, #tpu.memory_space<vmem>>)
      %dma_start3A_319 = arith.constant 4 : i32
      %dma_start3A_320 = arith.constant 0 : i32
      %dma_start3A_321 = tpu.memref_slice %arg6[%dma_start3A_319, %dma_start3A_320] : memref<8x128xi32, #tpu.memory_space<vmem>> -> memref<1x128xi32, #tpu.memory_space<vmem>>
      %dma_start3A_322 = tpu.memref_squeeze %dma_start3A_321 : memref<1x128xi32, #tpu.memory_space<vmem>> -> memref<128xi32, #tpu.memory_space<vmem>>
      %dma_start3A_323 = arith.constant 0 : i32
      %dma_start3A_324 = arith.constant 0 : i32
      %dma_start3A_325 = tpu.memref_slice %arg13[%dma_start3A_323, %dma_start3A_324] : memref<10240x64xf32, #tpu.memory_space<vmem_shared>> -> memref<10240x64xf32, #tpu.memory_space<vmem_shared>>
      tpu.enqueue_indirect_dma source(%arg8 : memref<128x64xf32, #tpu.memory_space<vmem>>) target(%dma_start3A_325 : memref<10240x64xf32, #tpu.memory_space<vmem_shared>>) offsets(%dma_start3A_322 : memref<128xi32, #tpu.memory_space<vmem>>) semaphore(%arg18 : memref<!tpu.dma_semaphore, #tpu.memory_space<semaphore_mem>>) {add = true}
      %lt3A_326 = arith.constant 318 : i32
      %lt3A_327 = arith.cmpi slt, %add3A_311, %lt3A_326 : i32
      %convert_element_type3A_328 = arith.extui %lt3A_327 : i1 to i32
      %cond3A_329 = arith.constant 0 : i32
      %cond3A_330 = arith.cmpi ne, %convert_element_type3A_328, %cond3A_329 : i32
      scf.if %cond3A_330 {
        %ge3A = arith.constant 2 : i32
        %ge3A_394 = arith.cmpi sge, %add3A_311, %ge3A : i32
        %convert_element_type3A_395 = arith.extui %ge3A_394 : i1 to i32
        %cond3A_396 = arith.constant 0 : i32
        %cond3A_397 = arith.cmpi ne, %convert_element_type3A_395, %cond3A_396 : i32
        scf.if %cond3A_397 {
          %dma_wait3A_438 = arith.constant 2 : i32
          %dma_wait3A_439 = arith.constant 0 : i32
          %dma_wait3A_440 = tpu.memref_slice %arg6[%dma_wait3A_438, %dma_wait3A_439] : memref<8x128xi32, #tpu.memory_space<vmem>> -> memref<1x128xi32, #tpu.memory_space<vmem>>
          %dma_wait3A_441 = tpu.memref_squeeze %dma_wait3A_440 : memref<1x128xi32, #tpu.memory_space<vmem>> -> memref<128xi32, #tpu.memory_space<vmem>>
          %dma_wait3A_442 = arith.constant 0 : i32
          %dma_wait3A_443 = arith.constant 0 : i32
          %dma_wait3A_444 = tpu.memref_slice %arg13[%dma_wait3A_442, %dma_wait3A_443] : memref<10240x64xf32, #tpu.memory_space<vmem_shared>> -> memref<10240x64xf32, #tpu.memory_space<vmem_shared>>
          tpu.wait_indirect_dma semaphore(%arg20 : memref<!tpu.dma_semaphore, #tpu.memory_space<semaphore_mem>>) src(%arg10 : memref<128x64xf32, #tpu.memory_space<vmem>>) dst(%dma_wait3A_444 : memref<10240x64xf32, #tpu.memory_space<vmem_shared>>)
        } else {
        }
        %lt3A_398 = arith.constant 316 : i32
        %lt3A_399 = arith.cmpi slt, %add3A_311, %lt3A_398 : i32
        %convert_element_type3A_400 = arith.extui %lt3A_399 : i1 to i32
        %cond3A_401 = arith.constant 0 : i32
        %cond3A_402 = arith.cmpi ne, %convert_element_type3A_400, %cond3A_401 : i32
        scf.if %cond3A_402 {
          %add3A_438 = arith.constant 4 : i32
          %add3A_439 = arith.addi %add3A_311, %add3A_438 : i32
          %dma_start3A_440 = arith.constant 0 : i32
          %dma_start3A_441 = arith.constant 0 : i32
          %dma_start3A_442 = tpu.memref_slice %arg6[%dma_start3A_440, %dma_start3A_441] : memref<8x128xi32, #tpu.memory_space<vmem>> -> memref<1x128xi32, #tpu.memory_space<vmem>>
          %dma_start3A_443 = tpu.memref_squeeze %dma_start3A_442 : memref<1x128xi32, #tpu.memory_space<vmem>> -> memref<128xi32, #tpu.memory_space<vmem>>
          %dma_start3A_444 = arith.constant 0 : i32
          %dma_start3A_445 = tpu.memref_slice %arg3[%arg1, %add3A_439, %dma_start3A_444] : memref<16x320x128xi32, #tpu.memory_space<hbm>> -> memref<1x1x128xi32, #tpu.memory_space<hbm>>
          %dma_start3A_446 = tpu.memref_squeeze %dma_start3A_445 : memref<1x1x128xi32, #tpu.memory_space<hbm>> -> memref<128xi32, #tpu.memory_space<hbm>>
          %dma_start3A_447 = arith.constant 0 : i32
          %dma_start3A_448 = tpu.memref_slice %arg6[%dma_start3A_440, %dma_start3A_447] : memref<8x128xi32, #tpu.memory_space<vmem>> -> memref<1x128xi32, #tpu.memory_space<vmem>>
          %dma_start3A_449 = tpu.memref_squeeze %dma_start3A_448 : memref<1x128xi32, #tpu.memory_space<vmem>> -> memref<128xi32, #tpu.memory_space<vmem>>
          %dma_start3A_450 = arith.constant 0 : i32
          %dma_start3A_451 = tpu.memref_slice %arg3[%arg1, %add3A_439, %dma_start3A_450] : memref<16x320x128xi32, #tpu.memory_space<hbm>> -> memref<1x1x128xi32, #tpu.memory_space<hbm>>
          %dma_start3A_452 = tpu.memref_squeeze %dma_start3A_451 : memref<1x1x128xi32, #tpu.memory_space<hbm>> -> memref<128xi32, #tpu.memory_space<hbm>>
          tpu.enqueue_dma source(%dma_start3A_452 : memref<128xi32, #tpu.memory_space<hbm>>) target(%dma_start3A_449 : memref<128xi32, #tpu.memory_space<vmem>>) target_semaphore(%arg22 : memref<!tpu.dma_semaphore, #tpu.memory_space<semaphore_mem>>)
          %dma_start3A_453 = arith.constant 0 : i32
          %dma_start3A_454 = arith.constant 0 : i32
          %dma_start3A_455 = tpu.memref_slice %arg7[%dma_start3A_453, %dma_start3A_454] : memref<8x128xi32, #tpu.memory_space<vmem>> -> memref<1x128xi32, #tpu.memory_space<vmem>>
          %dma_start3A_456 = tpu.memref_squeeze %dma_start3A_455 : memref<1x128xi32, #tpu.memory_space<vmem>> -> memref<128xi32, #tpu.memory_space<vmem>>
          %dma_start3A_457 = arith.constant 0 : i32
          %dma_start3A_458 = tpu.memref_slice %arg4[%arg1, %add3A_439, %dma_start3A_457] : memref<16x320x128xi32, #tpu.memory_space<hbm>> -> memref<1x1x128xi32, #tpu.memory_space<hbm>>
          %dma_start3A_459 = tpu.memref_squeeze %dma_start3A_458 : memref<1x1x128xi32, #tpu.memory_space<hbm>> -> memref<128xi32, #tpu.memory_space<hbm>>
          %dma_start3A_460 = arith.constant 0 : i32
          %dma_start3A_461 = tpu.memref_slice %arg7[%dma_start3A_453, %dma_start3A_460] : memref<8x128xi32, #tpu.memory_space<vmem>> -> memref<1x128xi32, #tpu.memory_space<vmem>>
          %dma_start3A_462 = tpu.memref_squeeze %dma_start3A_461 : memref<1x128xi32, #tpu.memory_space<vmem>> -> memref<128xi32, #tpu.memory_space<vmem>>
          %dma_start3A_463 = arith.constant 0 : i32
          %dma_start3A_464 = tpu.memref_slice %arg4[%arg1, %add3A_439, %dma_start3A_463] : memref<16x320x128xi32, #tpu.memory_space<hbm>> -> memref<1x1x128xi32, #tpu.memory_space<hbm>>
          %dma_start3A_465 = tpu.memref_squeeze %dma_start3A_464 : memref<1x1x128xi32, #tpu.memory_space<hbm>> -> memref<128xi32, #tpu.memory_space<hbm>>
          tpu.enqueue_dma source(%dma_start3A_465 : memref<128xi32, #tpu.memory_space<hbm>>) target(%dma_start3A_462 : memref<128xi32, #tpu.memory_space<vmem>>) target_semaphore(%arg22 : memref<!tpu.dma_semaphore, #tpu.memory_space<semaphore_mem>>)
        } else {
        }
        %add3A_403 = arith.constant 2 : i32
        %add3A_404 = arith.addi %add3A_311, %add3A_403 : i32
        %dma_wait3A_405 = arith.constant 6 : i32
        %dma_wait3A_406 = arith.constant 0 : i32
        %dma_wait3A_407 = tpu.memref_slice %arg6[%dma_wait3A_405, %dma_wait3A_406] : memref<8x128xi32, #tpu.memory_space<vmem>> -> memref<1x128xi32, #tpu.memory_space<vmem>>
        %dma_wait3A_408 = tpu.memref_squeeze %dma_wait3A_407 : memref<1x128xi32, #tpu.memory_space<vmem>> -> memref<128xi32, #tpu.memory_space<vmem>>
        %dma_wait3A_409 = arith.constant 0 : i32
        %dma_wait3A_410 = tpu.memref_slice %arg3[%arg1, %add3A_404, %dma_wait3A_409] : memref<16x320x128xi32, #tpu.memory_space<hbm>> -> memref<1x1x128xi32, #tpu.memory_space<hbm>>
        %dma_wait3A_411 = tpu.memref_squeeze %dma_wait3A_410 : memref<1x1x128xi32, #tpu.memory_space<hbm>> -> memref<128xi32, #tpu.memory_space<hbm>>
        %dma_wait3A_412 = arith.constant 0 : i32
        %dma_wait3A_413 = tpu.memref_slice %arg6[%dma_wait3A_405, %dma_wait3A_412] : memref<8x128xi32, #tpu.memory_space<vmem>> -> memref<1x128xi32, #tpu.memory_space<vmem>>
        %dma_wait3A_414 = tpu.memref_squeeze %dma_wait3A_413 : memref<1x128xi32, #tpu.memory_space<vmem>> -> memref<128xi32, #tpu.memory_space<vmem>>
        %dma_wait3A_415 = arith.constant 0 : i32
        %dma_wait3A_416 = tpu.memref_slice %arg3[%arg1, %add3A_404, %dma_wait3A_415] : memref<16x320x128xi32, #tpu.memory_space<hbm>> -> memref<1x1x128xi32, #tpu.memory_space<hbm>>
        %dma_wait3A_417 = tpu.memref_squeeze %dma_wait3A_416 : memref<1x1x128xi32, #tpu.memory_space<hbm>> -> memref<128xi32, #tpu.memory_space<hbm>>
        tpu.wait_dma2 semaphore(%arg28 : memref<!tpu.dma_semaphore, #tpu.memory_space<semaphore_mem>>) src(%dma_wait3A_417 : memref<128xi32, #tpu.memory_space<hbm>>) dst(%dma_wait3A_414 : memref<128xi32, #tpu.memory_space<vmem>>)
        %dma_wait3A_418 = arith.constant 6 : i32
        %dma_wait3A_419 = arith.constant 0 : i32
        %dma_wait3A_420 = tpu.memref_slice %arg7[%dma_wait3A_418, %dma_wait3A_419] : memref<8x128xi32, #tpu.memory_space<vmem>> -> memref<1x128xi32, #tpu.memory_space<vmem>>
        %dma_wait3A_421 = tpu.memref_squeeze %dma_wait3A_420 : memref<1x128xi32, #tpu.memory_space<vmem>> -> memref<128xi32, #tpu.memory_space<vmem>>
        %dma_wait3A_422 = arith.constant 0 : i32
        %dma_wait3A_423 = tpu.memref_slice %arg4[%arg1, %add3A_404, %dma_wait3A_422] : memref<16x320x128xi32, #tpu.memory_space<hbm>> -> memref<1x1x128xi32, #tpu.memory_space<hbm>>
        %dma_wait3A_424 = tpu.memref_squeeze %dma_wait3A_423 : memref<1x1x128xi32, #tpu.memory_space<hbm>> -> memref<128xi32, #tpu.memory_space<hbm>>
        %dma_wait3A_425 = arith.constant 0 : i32
        %dma_wait3A_426 = tpu.memref_slice %arg7[%dma_wait3A_418, %dma_wait3A_425] : memref<8x128xi32, #tpu.memory_space<vmem>> -> memref<1x128xi32, #tpu.memory_space<vmem>>
        %dma_wait3A_427 = tpu.memref_squeeze %dma_wait3A_426 : memref<1x128xi32, #tpu.memory_space<vmem>> -> memref<128xi32, #tpu.memory_space<vmem>>
        %dma_wait3A_428 = arith.constant 0 : i32
        %dma_wait3A_429 = tpu.memref_slice %arg4[%arg1, %add3A_404, %dma_wait3A_428] : memref<16x320x128xi32, #tpu.memory_space<hbm>> -> memref<1x1x128xi32, #tpu.memory_space<hbm>>
        %dma_wait3A_430 = tpu.memref_squeeze %dma_wait3A_429 : memref<1x1x128xi32, #tpu.memory_space<hbm>> -> memref<128xi32, #tpu.memory_space<hbm>>
        tpu.wait_dma2 semaphore(%arg28 : memref<!tpu.dma_semaphore, #tpu.memory_space<semaphore_mem>>) src(%dma_wait3A_430 : memref<128xi32, #tpu.memory_space<hbm>>) dst(%dma_wait3A_427 : memref<128xi32, #tpu.memory_space<vmem>>)
        %dma_start3A_431 = arith.constant 6 : i32
        %dma_start3A_432 = arith.constant 0 : i32
        %dma_start3A_433 = tpu.memref_slice %arg7[%dma_start3A_431, %dma_start3A_432] : memref<8x128xi32, #tpu.memory_space<vmem>> -> memref<1x128xi32, #tpu.memory_space<vmem>>
        %dma_start3A_434 = tpu.memref_squeeze %dma_start3A_433 : memref<1x128xi32, #tpu.memory_space<vmem>> -> memref<128xi32, #tpu.memory_space<vmem>>
        %dma_start3A_435 = arith.constant 0 : i32
        %dma_start3A_436 = arith.constant 0 : i32
        %dma_start3A_437 = tpu.memref_slice %arg12[%dma_start3A_435, %dma_start3A_436] : memref<10240x64xf32, #tpu.memory_space<vmem_shared>> -> memref<10240x64xf32, #tpu.memory_space<vmem_shared>>
        tpu.enqueue_indirect_dma source(%dma_start3A_437 : memref<10240x64xf32, #tpu.memory_space<vmem_shared>>) target(%arg10 : memref<128x64xf32, #tpu.memory_space<vmem>>) offsets(%dma_start3A_434 : memref<128xi32, #tpu.memory_space<vmem>>) semaphore(%arg16 : memref<!tpu.dma_semaphore, #tpu.memory_space<semaphore_mem>>)
      } else {
      }
      %add3A_331 = arith.constant 5 : i32
      %add3A_332 = arith.addi %add3A_228, %add3A_331 : i32
      %dma_wait3A_333 = arith.constant 5 : i32
      %dma_wait3A_334 = arith.constant 0 : i32
      %dma_wait3A_335 = tpu.memref_slice %arg7[%dma_wait3A_333, %dma_wait3A_334] : memref<8x128xi32, #tpu.memory_space<vmem>> -> memref<1x128xi32, #tpu.memory_space<vmem>>
      %dma_wait3A_336 = tpu.memref_squeeze %dma_wait3A_335 : memref<1x128xi32, #tpu.memory_space<vmem>> -> memref<128xi32, #tpu.memory_space<vmem>>
      %dma_wait3A_337 = arith.constant 0 : i32
      %dma_wait3A_338 = arith.constant 0 : i32
      %dma_wait3A_339 = tpu.memref_slice %arg12[%dma_wait3A_337, %dma_wait3A_338] : memref<10240x64xf32, #tpu.memory_space<vmem_shared>> -> memref<10240x64xf32, #tpu.memory_space<vmem_shared>>
      tpu.wait_indirect_dma semaphore(%arg15 : memref<!tpu.dma_semaphore, #tpu.memory_space<semaphore_mem>>) src(%dma_wait3A_339 : memref<10240x64xf32, #tpu.memory_space<vmem_shared>>) dst(%arg9 : memref<128x64xf32, #tpu.memory_space<vmem>>)
      %dma_start3A_340 = arith.constant 5 : i32
      %dma_start3A_341 = arith.constant 0 : i32
      %dma_start3A_342 = tpu.memref_slice %arg6[%dma_start3A_340, %dma_start3A_341] : memref<8x128xi32, #tpu.memory_space<vmem>> -> memref<1x128xi32, #tpu.memory_space<vmem>>
      %dma_start3A_343 = tpu.memref_squeeze %dma_start3A_342 : memref<1x128xi32, #tpu.memory_space<vmem>> -> memref<128xi32, #tpu.memory_space<vmem>>
      %dma_start3A_344 = arith.constant 0 : i32
      %dma_start3A_345 = arith.constant 0 : i32
      %dma_start3A_346 = tpu.memref_slice %arg13[%dma_start3A_344, %dma_start3A_345] : memref<10240x64xf32, #tpu.memory_space<vmem_shared>> -> memref<10240x64xf32, #tpu.memory_space<vmem_shared>>
      tpu.enqueue_indirect_dma source(%arg9 : memref<128x64xf32, #tpu.memory_space<vmem>>) target(%dma_start3A_346 : memref<10240x64xf32, #tpu.memory_space<vmem_shared>>) offsets(%dma_start3A_343 : memref<128xi32, #tpu.memory_space<vmem>>) semaphore(%arg19 : memref<!tpu.dma_semaphore, #tpu.memory_space<semaphore_mem>>) {add = true}
      %lt3A_347 = arith.constant 318 : i32
      %lt3A_348 = arith.cmpi slt, %add3A_332, %lt3A_347 : i32
      %convert_element_type3A_349 = arith.extui %lt3A_348 : i1 to i32
      %cond3A_350 = arith.constant 0 : i32
      %cond3A_351 = arith.cmpi ne, %convert_element_type3A_349, %cond3A_350 : i32
      scf.if %cond3A_351 {
        %ge3A = arith.constant 2 : i32
        %ge3A_394 = arith.cmpi sge, %add3A_332, %ge3A : i32
        %convert_element_type3A_395 = arith.extui %ge3A_394 : i1 to i32
        %cond3A_396 = arith.constant 0 : i32
        %cond3A_397 = arith.cmpi ne, %convert_element_type3A_395, %cond3A_396 : i32
        scf.if %cond3A_397 {
          %dma_wait3A_438 = arith.constant 3 : i32
          %dma_wait3A_439 = arith.constant 0 : i32
          %dma_wait3A_440 = tpu.memref_slice %arg6[%dma_wait3A_438, %dma_wait3A_439] : memref<8x128xi32, #tpu.memory_space<vmem>> -> memref<1x128xi32, #tpu.memory_space<vmem>>
          %dma_wait3A_441 = tpu.memref_squeeze %dma_wait3A_440 : memref<1x128xi32, #tpu.memory_space<vmem>> -> memref<128xi32, #tpu.memory_space<vmem>>
          %dma_wait3A_442 = arith.constant 0 : i32
          %dma_wait3A_443 = arith.constant 0 : i32
          %dma_wait3A_444 = tpu.memref_slice %arg13[%dma_wait3A_442, %dma_wait3A_443] : memref<10240x64xf32, #tpu.memory_space<vmem_shared>> -> memref<10240x64xf32, #tpu.memory_space<vmem_shared>>
          tpu.wait_indirect_dma semaphore(%arg21 : memref<!tpu.dma_semaphore, #tpu.memory_space<semaphore_mem>>) src(%arg11 : memref<128x64xf32, #tpu.memory_space<vmem>>) dst(%dma_wait3A_444 : memref<10240x64xf32, #tpu.memory_space<vmem_shared>>)
        } else {
        }
        %lt3A_398 = arith.constant 316 : i32
        %lt3A_399 = arith.cmpi slt, %add3A_332, %lt3A_398 : i32
        %convert_element_type3A_400 = arith.extui %lt3A_399 : i1 to i32
        %cond3A_401 = arith.constant 0 : i32
        %cond3A_402 = arith.cmpi ne, %convert_element_type3A_400, %cond3A_401 : i32
        scf.if %cond3A_402 {
          %add3A_438 = arith.constant 4 : i32
          %add3A_439 = arith.addi %add3A_332, %add3A_438 : i32
          %dma_start3A_440 = arith.constant 1 : i32
          %dma_start3A_441 = arith.constant 0 : i32
          %dma_start3A_442 = tpu.memref_slice %arg6[%dma_start3A_440, %dma_start3A_441] : memref<8x128xi32, #tpu.memory_space<vmem>> -> memref<1x128xi32, #tpu.memory_space<vmem>>
          %dma_start3A_443 = tpu.memref_squeeze %dma_start3A_442 : memref<1x128xi32, #tpu.memory_space<vmem>> -> memref<128xi32, #tpu.memory_space<vmem>>
          %dma_start3A_444 = arith.constant 0 : i32
          %dma_start3A_445 = tpu.memref_slice %arg3[%arg1, %add3A_439, %dma_start3A_444] : memref<16x320x128xi32, #tpu.memory_space<hbm>> -> memref<1x1x128xi32, #tpu.memory_space<hbm>>
          %dma_start3A_446 = tpu.memref_squeeze %dma_start3A_445 : memref<1x1x128xi32, #tpu.memory_space<hbm>> -> memref<128xi32, #tpu.memory_space<hbm>>
          %dma_start3A_447 = arith.constant 0 : i32
          %dma_start3A_448 = tpu.memref_slice %arg6[%dma_start3A_440, %dma_start3A_447] : memref<8x128xi32, #tpu.memory_space<vmem>> -> memref<1x128xi32, #tpu.memory_space<vmem>>
          %dma_start3A_449 = tpu.memref_squeeze %dma_start3A_448 : memref<1x128xi32, #tpu.memory_space<vmem>> -> memref<128xi32, #tpu.memory_space<vmem>>
          %dma_start3A_450 = arith.constant 0 : i32
          %dma_start3A_451 = tpu.memref_slice %arg3[%arg1, %add3A_439, %dma_start3A_450] : memref<16x320x128xi32, #tpu.memory_space<hbm>> -> memref<1x1x128xi32, #tpu.memory_space<hbm>>
          %dma_start3A_452 = tpu.memref_squeeze %dma_start3A_451 : memref<1x1x128xi32, #tpu.memory_space<hbm>> -> memref<128xi32, #tpu.memory_space<hbm>>
          tpu.enqueue_dma source(%dma_start3A_452 : memref<128xi32, #tpu.memory_space<hbm>>) target(%dma_start3A_449 : memref<128xi32, #tpu.memory_space<vmem>>) target_semaphore(%arg23 : memref<!tpu.dma_semaphore, #tpu.memory_space<semaphore_mem>>)
          %dma_start3A_453 = arith.constant 1 : i32
          %dma_start3A_454 = arith.constant 0 : i32
          %dma_start3A_455 = tpu.memref_slice %arg7[%dma_start3A_453, %dma_start3A_454] : memref<8x128xi32, #tpu.memory_space<vmem>> -> memref<1x128xi32, #tpu.memory_space<vmem>>
          %dma_start3A_456 = tpu.memref_squeeze %dma_start3A_455 : memref<1x128xi32, #tpu.memory_space<vmem>> -> memref<128xi32, #tpu.memory_space<vmem>>
          %dma_start3A_457 = arith.constant 0 : i32
          %dma_start3A_458 = tpu.memref_slice %arg4[%arg1, %add3A_439, %dma_start3A_457] : memref<16x320x128xi32, #tpu.memory_space<hbm>> -> memref<1x1x128xi32, #tpu.memory_space<hbm>>
          %dma_start3A_459 = tpu.memref_squeeze %dma_start3A_458 : memref<1x1x128xi32, #tpu.memory_space<hbm>> -> memref<128xi32, #tpu.memory_space<hbm>>
          %dma_start3A_460 = arith.constant 0 : i32
          %dma_start3A_461 = tpu.memref_slice %arg7[%dma_start3A_453, %dma_start3A_460] : memref<8x128xi32, #tpu.memory_space<vmem>> -> memref<1x128xi32, #tpu.memory_space<vmem>>
          %dma_start3A_462 = tpu.memref_squeeze %dma_start3A_461 : memref<1x128xi32, #tpu.memory_space<vmem>> -> memref<128xi32, #tpu.memory_space<vmem>>
          %dma_start3A_463 = arith.constant 0 : i32
          %dma_start3A_464 = tpu.memref_slice %arg4[%arg1, %add3A_439, %dma_start3A_463] : memref<16x320x128xi32, #tpu.memory_space<hbm>> -> memref<1x1x128xi32, #tpu.memory_space<hbm>>
          %dma_start3A_465 = tpu.memref_squeeze %dma_start3A_464 : memref<1x1x128xi32, #tpu.memory_space<hbm>> -> memref<128xi32, #tpu.memory_space<hbm>>
          tpu.enqueue_dma source(%dma_start3A_465 : memref<128xi32, #tpu.memory_space<hbm>>) target(%dma_start3A_462 : memref<128xi32, #tpu.memory_space<vmem>>) target_semaphore(%arg23 : memref<!tpu.dma_semaphore, #tpu.memory_space<semaphore_mem>>)
        } else {
        }
        %add3A_403 = arith.constant 2 : i32
        %add3A_404 = arith.addi %add3A_332, %add3A_403 : i32
        %dma_wait3A_405 = arith.constant 7 : i32
        %dma_wait3A_406 = arith.constant 0 : i32
        %dma_wait3A_407 = tpu.memref_slice %arg6[%dma_wait3A_405, %dma_wait3A_406] : memref<8x128xi32, #tpu.memory_space<vmem>> -> memref<1x128xi32, #tpu.memory_space<vmem>>
        %dma_wait3A_408 = tpu.memref_squeeze %dma_wait3A_407 : memref<1x128xi32, #tpu.memory_space<vmem>> -> memref<128xi32, #tpu.memory_space<vmem>>
        %dma_wait3A_409 = arith.constant 0 : i32
        %dma_wait3A_410 = tpu.memref_slice %arg3[%arg1, %add3A_404, %dma_wait3A_409] : memref<16x320x128xi32, #tpu.memory_space<hbm>> -> memref<1x1x128xi32, #tpu.memory_space<hbm>>
        %dma_wait3A_411 = tpu.memref_squeeze %dma_wait3A_410 : memref<1x1x128xi32, #tpu.memory_space<hbm>> -> memref<128xi32, #tpu.memory_space<hbm>>
        %dma_wait3A_412 = arith.constant 0 : i32
        %dma_wait3A_413 = tpu.memref_slice %arg6[%dma_wait3A_405, %dma_wait3A_412] : memref<8x128xi32, #tpu.memory_space<vmem>> -> memref<1x128xi32, #tpu.memory_space<vmem>>
        %dma_wait3A_414 = tpu.memref_squeeze %dma_wait3A_413 : memref<1x128xi32, #tpu.memory_space<vmem>> -> memref<128xi32, #tpu.memory_space<vmem>>
        %dma_wait3A_415 = arith.constant 0 : i32
        %dma_wait3A_416 = tpu.memref_slice %arg3[%arg1, %add3A_404, %dma_wait3A_415] : memref<16x320x128xi32, #tpu.memory_space<hbm>> -> memref<1x1x128xi32, #tpu.memory_space<hbm>>
        %dma_wait3A_417 = tpu.memref_squeeze %dma_wait3A_416 : memref<1x1x128xi32, #tpu.memory_space<hbm>> -> memref<128xi32, #tpu.memory_space<hbm>>
        tpu.wait_dma2 semaphore(%arg29 : memref<!tpu.dma_semaphore, #tpu.memory_space<semaphore_mem>>) src(%dma_wait3A_417 : memref<128xi32, #tpu.memory_space<hbm>>) dst(%dma_wait3A_414 : memref<128xi32, #tpu.memory_space<vmem>>)
        %dma_wait3A_418 = arith.constant 7 : i32
        %dma_wait3A_419 = arith.constant 0 : i32
        %dma_wait3A_420 = tpu.memref_slice %arg7[%dma_wait3A_418, %dma_wait3A_419] : memref<8x128xi32, #tpu.memory_space<vmem>> -> memref<1x128xi32, #tpu.memory_space<vmem>>
        %dma_wait3A_421 = tpu.memref_squeeze %dma_wait3A_420 : memref<1x128xi32, #tpu.memory_space<vmem>> -> memref<128xi32, #tpu.memory_space<vmem>>
        %dma_wait3A_422 = arith.constant 0 : i32
        %dma_wait3A_423 = tpu.memref_slice %arg4[%arg1, %add3A_404, %dma_wait3A_422] : memref<16x320x128xi32, #tpu.memory_space<hbm>> -> memref<1x1x128xi32, #tpu.memory_space<hbm>>
        %dma_wait3A_424 = tpu.memref_squeeze %dma_wait3A_423 : memref<1x1x128xi32, #tpu.memory_space<hbm>> -> memref<128xi32, #tpu.memory_space<hbm>>
        %dma_wait3A_425 = arith.constant 0 : i32
        %dma_wait3A_426 = tpu.memref_slice %arg7[%dma_wait3A_418, %dma_wait3A_425] : memref<8x128xi32, #tpu.memory_space<vmem>> -> memref<1x128xi32, #tpu.memory_space<vmem>>
        %dma_wait3A_427 = tpu.memref_squeeze %dma_wait3A_426 : memref<1x128xi32, #tpu.memory_space<vmem>> -> memref<128xi32, #tpu.memory_space<vmem>>
        %dma_wait3A_428 = arith.constant 0 : i32
        %dma_wait3A_429 = tpu.memref_slice %arg4[%arg1, %add3A_404, %dma_wait3A_428] : memref<16x320x128xi32, #tpu.memory_space<hbm>> -> memref<1x1x128xi32, #tpu.memory_space<hbm>>
        %dma_wait3A_430 = tpu.memref_squeeze %dma_wait3A_429 : memref<1x1x128xi32, #tpu.memory_space<hbm>> -> memref<128xi32, #tpu.memory_space<hbm>>
        tpu.wait_dma2 semaphore(%arg29 : memref<!tpu.dma_semaphore, #tpu.memory_space<semaphore_mem>>) src(%dma_wait3A_430 : memref<128xi32, #tpu.memory_space<hbm>>) dst(%dma_wait3A_427 : memref<128xi32, #tpu.memory_space<vmem>>)
        %dma_start3A_431 = arith.constant 7 : i32
        %dma_start3A_432 = arith.constant 0 : i32
        %dma_start3A_433 = tpu.memref_slice %arg7[%dma_start3A_431, %dma_start3A_432] : memref<8x128xi32, #tpu.memory_space<vmem>> -> memref<1x128xi32, #tpu.memory_space<vmem>>
        %dma_start3A_434 = tpu.memref_squeeze %dma_start3A_433 : memref<1x128xi32, #tpu.memory_space<vmem>> -> memref<128xi32, #tpu.memory_space<vmem>>
        %dma_start3A_435 = arith.constant 0 : i32
        %dma_start3A_436 = arith.constant 0 : i32
        %dma_start3A_437 = tpu.memref_slice %arg12[%dma_start3A_435, %dma_start3A_436] : memref<10240x64xf32, #tpu.memory_space<vmem_shared>> -> memref<10240x64xf32, #tpu.memory_space<vmem_shared>>
        tpu.enqueue_indirect_dma source(%dma_start3A_437 : memref<10240x64xf32, #tpu.memory_space<vmem_shared>>) target(%arg11 : memref<128x64xf32, #tpu.memory_space<vmem>>) offsets(%dma_start3A_434 : memref<128xi32, #tpu.memory_space<vmem>>) semaphore(%arg17 : memref<!tpu.dma_semaphore, #tpu.memory_space<semaphore_mem>>)
      } else {
      }
      %add3A_352 = arith.constant 6 : i32
      %add3A_353 = arith.addi %add3A_228, %add3A_352 : i32
      %dma_wait3A_354 = arith.constant 6 : i32
      %dma_wait3A_355 = arith.constant 0 : i32
      %dma_wait3A_356 = tpu.memref_slice %arg7[%dma_wait3A_354, %dma_wait3A_355] : memref<8x128xi32, #tpu.memory_space<vmem>> -> memref<1x128xi32, #tpu.memory_space<vmem>>
      %dma_wait3A_357 = tpu.memref_squeeze %dma_wait3A_356 : memref<1x128xi32, #tpu.memory_space<vmem>> -> memref<128xi32, #tpu.memory_space<vmem>>
      %dma_wait3A_358 = arith.constant 0 : i32
      %dma_wait3A_359 = arith.constant 0 : i32
      %dma_wait3A_360 = tpu.memref_slice %arg12[%dma_wait3A_358, %dma_wait3A_359] : memref<10240x64xf32, #tpu.memory_space<vmem_shared>> -> memref<10240x64xf32, #tpu.memory_space<vmem_shared>>
      tpu.wait_indirect_dma semaphore(%arg16 : memref<!tpu.dma_semaphore, #tpu.memory_space<semaphore_mem>>) src(%dma_wait3A_360 : memref<10240x64xf32, #tpu.memory_space<vmem_shared>>) dst(%arg10 : memref<128x64xf32, #tpu.memory_space<vmem>>)
      %dma_start3A_361 = arith.constant 6 : i32
      %dma_start3A_362 = arith.constant 0 : i32
      %dma_start3A_363 = tpu.memref_slice %arg6[%dma_start3A_361, %dma_start3A_362] : memref<8x128xi32, #tpu.memory_space<vmem>> -> memref<1x128xi32, #tpu.memory_space<vmem>>
      %dma_start3A_364 = tpu.memref_squeeze %dma_start3A_363 : memref<1x128xi32, #tpu.memory_space<vmem>> -> memref<128xi32, #tpu.memory_space<vmem>>
      %dma_start3A_365 = arith.constant 0 : i32
      %dma_start3A_366 = arith.constant 0 : i32
      %dma_start3A_367 = tpu.memref_slice %arg13[%dma_start3A_365, %dma_start3A_366] : memref<10240x64xf32, #tpu.memory_space<vmem_shared>> -> memref<10240x64xf32, #tpu.memory_space<vmem_shared>>
      tpu.enqueue_indirect_dma source(%arg10 : memref<128x64xf32, #tpu.memory_space<vmem>>) target(%dma_start3A_367 : memref<10240x64xf32, #tpu.memory_space<vmem_shared>>) offsets(%dma_start3A_364 : memref<128xi32, #tpu.memory_space<vmem>>) semaphore(%arg20 : memref<!tpu.dma_semaphore, #tpu.memory_space<semaphore_mem>>) {add = true}
      %lt3A_368 = arith.constant 318 : i32
      %lt3A_369 = arith.cmpi slt, %add3A_353, %lt3A_368 : i32
      %convert_element_type3A_370 = arith.extui %lt3A_369 : i1 to i32
      %cond3A_371 = arith.constant 0 : i32
      %cond3A_372 = arith.cmpi ne, %convert_element_type3A_370, %cond3A_371 : i32
      scf.if %cond3A_372 {
        %ge3A = arith.constant 2 : i32
        %ge3A_394 = arith.cmpi sge, %add3A_353, %ge3A : i32
        %convert_element_type3A_395 = arith.extui %ge3A_394 : i1 to i32
        %cond3A_396 = arith.constant 0 : i32
        %cond3A_397 = arith.cmpi ne, %convert_element_type3A_395, %cond3A_396 : i32
        scf.if %cond3A_397 {
          %dma_wait3A_438 = arith.constant 4 : i32
          %dma_wait3A_439 = arith.constant 0 : i32
          %dma_wait3A_440 = tpu.memref_slice %arg6[%dma_wait3A_438, %dma_wait3A_439] : memref<8x128xi32, #tpu.memory_space<vmem>> -> memref<1x128xi32, #tpu.memory_space<vmem>>
          %dma_wait3A_441 = tpu.memref_squeeze %dma_wait3A_440 : memref<1x128xi32, #tpu.memory_space<vmem>> -> memref<128xi32, #tpu.memory_space<vmem>>
          %dma_wait3A_442 = arith.constant 0 : i32
          %dma_wait3A_443 = arith.constant 0 : i32
          %dma_wait3A_444 = tpu.memref_slice %arg13[%dma_wait3A_442, %dma_wait3A_443] : memref<10240x64xf32, #tpu.memory_space<vmem_shared>> -> memref<10240x64xf32, #tpu.memory_space<vmem_shared>>
          tpu.wait_indirect_dma semaphore(%arg18 : memref<!tpu.dma_semaphore, #tpu.memory_space<semaphore_mem>>) src(%arg8 : memref<128x64xf32, #tpu.memory_space<vmem>>) dst(%dma_wait3A_444 : memref<10240x64xf32, #tpu.memory_space<vmem_shared>>)
        } else {
        }
        %lt3A_398 = arith.constant 316 : i32
        %lt3A_399 = arith.cmpi slt, %add3A_353, %lt3A_398 : i32
        %convert_element_type3A_400 = arith.extui %lt3A_399 : i1 to i32
        %cond3A_401 = arith.constant 0 : i32
        %cond3A_402 = arith.cmpi ne, %convert_element_type3A_400, %cond3A_401 : i32
        scf.if %cond3A_402 {
          %add3A_438 = arith.constant 4 : i32
          %add3A_439 = arith.addi %add3A_353, %add3A_438 : i32
          %dma_start3A_440 = arith.constant 2 : i32
          %dma_start3A_441 = arith.constant 0 : i32
          %dma_start3A_442 = tpu.memref_slice %arg6[%dma_start3A_440, %dma_start3A_441] : memref<8x128xi32, #tpu.memory_space<vmem>> -> memref<1x128xi32, #tpu.memory_space<vmem>>
          %dma_start3A_443 = tpu.memref_squeeze %dma_start3A_442 : memref<1x128xi32, #tpu.memory_space<vmem>> -> memref<128xi32, #tpu.memory_space<vmem>>
          %dma_start3A_444 = arith.constant 0 : i32
          %dma_start3A_445 = tpu.memref_slice %arg3[%arg1, %add3A_439, %dma_start3A_444] : memref<16x320x128xi32, #tpu.memory_space<hbm>> -> memref<1x1x128xi32, #tpu.memory_space<hbm>>
          %dma_start3A_446 = tpu.memref_squeeze %dma_start3A_445 : memref<1x1x128xi32, #tpu.memory_space<hbm>> -> memref<128xi32, #tpu.memory_space<hbm>>
          %dma_start3A_447 = arith.constant 0 : i32
          %dma_start3A_448 = tpu.memref_slice %arg6[%dma_start3A_440, %dma_start3A_447] : memref<8x128xi32, #tpu.memory_space<vmem>> -> memref<1x128xi32, #tpu.memory_space<vmem>>
          %dma_start3A_449 = tpu.memref_squeeze %dma_start3A_448 : memref<1x128xi32, #tpu.memory_space<vmem>> -> memref<128xi32, #tpu.memory_space<vmem>>
          %dma_start3A_450 = arith.constant 0 : i32
          %dma_start3A_451 = tpu.memref_slice %arg3[%arg1, %add3A_439, %dma_start3A_450] : memref<16x320x128xi32, #tpu.memory_space<hbm>> -> memref<1x1x128xi32, #tpu.memory_space<hbm>>
          %dma_start3A_452 = tpu.memref_squeeze %dma_start3A_451 : memref<1x1x128xi32, #tpu.memory_space<hbm>> -> memref<128xi32, #tpu.memory_space<hbm>>
          tpu.enqueue_dma source(%dma_start3A_452 : memref<128xi32, #tpu.memory_space<hbm>>) target(%dma_start3A_449 : memref<128xi32, #tpu.memory_space<vmem>>) target_semaphore(%arg24 : memref<!tpu.dma_semaphore, #tpu.memory_space<semaphore_mem>>)
          %dma_start3A_453 = arith.constant 2 : i32
          %dma_start3A_454 = arith.constant 0 : i32
          %dma_start3A_455 = tpu.memref_slice %arg7[%dma_start3A_453, %dma_start3A_454] : memref<8x128xi32, #tpu.memory_space<vmem>> -> memref<1x128xi32, #tpu.memory_space<vmem>>
          %dma_start3A_456 = tpu.memref_squeeze %dma_start3A_455 : memref<1x128xi32, #tpu.memory_space<vmem>> -> memref<128xi32, #tpu.memory_space<vmem>>
          %dma_start3A_457 = arith.constant 0 : i32
          %dma_start3A_458 = tpu.memref_slice %arg4[%arg1, %add3A_439, %dma_start3A_457] : memref<16x320x128xi32, #tpu.memory_space<hbm>> -> memref<1x1x128xi32, #tpu.memory_space<hbm>>
          %dma_start3A_459 = tpu.memref_squeeze %dma_start3A_458 : memref<1x1x128xi32, #tpu.memory_space<hbm>> -> memref<128xi32, #tpu.memory_space<hbm>>
          %dma_start3A_460 = arith.constant 0 : i32
          %dma_start3A_461 = tpu.memref_slice %arg7[%dma_start3A_453, %dma_start3A_460] : memref<8x128xi32, #tpu.memory_space<vmem>> -> memref<1x128xi32, #tpu.memory_space<vmem>>
          %dma_start3A_462 = tpu.memref_squeeze %dma_start3A_461 : memref<1x128xi32, #tpu.memory_space<vmem>> -> memref<128xi32, #tpu.memory_space<vmem>>
          %dma_start3A_463 = arith.constant 0 : i32
          %dma_start3A_464 = tpu.memref_slice %arg4[%arg1, %add3A_439, %dma_start3A_463] : memref<16x320x128xi32, #tpu.memory_space<hbm>> -> memref<1x1x128xi32, #tpu.memory_space<hbm>>
          %dma_start3A_465 = tpu.memref_squeeze %dma_start3A_464 : memref<1x1x128xi32, #tpu.memory_space<hbm>> -> memref<128xi32, #tpu.memory_space<hbm>>
          tpu.enqueue_dma source(%dma_start3A_465 : memref<128xi32, #tpu.memory_space<hbm>>) target(%dma_start3A_462 : memref<128xi32, #tpu.memory_space<vmem>>) target_semaphore(%arg24 : memref<!tpu.dma_semaphore, #tpu.memory_space<semaphore_mem>>)
        } else {
        }
        %add3A_403 = arith.constant 2 : i32
        %add3A_404 = arith.addi %add3A_353, %add3A_403 : i32
        %dma_wait3A_405 = arith.constant 0 : i32
        %dma_wait3A_406 = arith.constant 0 : i32
        %dma_wait3A_407 = tpu.memref_slice %arg6[%dma_wait3A_405, %dma_wait3A_406] : memref<8x128xi32, #tpu.memory_space<vmem>> -> memref<1x128xi32, #tpu.memory_space<vmem>>
        %dma_wait3A_408 = tpu.memref_squeeze %dma_wait3A_407 : memref<1x128xi32, #tpu.memory_space<vmem>> -> memref<128xi32, #tpu.memory_space<vmem>>
        %dma_wait3A_409 = arith.constant 0 : i32
        %dma_wait3A_410 = tpu.memref_slice %arg3[%arg1, %add3A_404, %dma_wait3A_409] : memref<16x320x128xi32, #tpu.memory_space<hbm>> -> memref<1x1x128xi32, #tpu.memory_space<hbm>>
        %dma_wait3A_411 = tpu.memref_squeeze %dma_wait3A_410 : memref<1x1x128xi32, #tpu.memory_space<hbm>> -> memref<128xi32, #tpu.memory_space<hbm>>
        %dma_wait3A_412 = arith.constant 0 : i32
        %dma_wait3A_413 = tpu.memref_slice %arg6[%dma_wait3A_405, %dma_wait3A_412] : memref<8x128xi32, #tpu.memory_space<vmem>> -> memref<1x128xi32, #tpu.memory_space<vmem>>
        %dma_wait3A_414 = tpu.memref_squeeze %dma_wait3A_413 : memref<1x128xi32, #tpu.memory_space<vmem>> -> memref<128xi32, #tpu.memory_space<vmem>>
        %dma_wait3A_415 = arith.constant 0 : i32
        %dma_wait3A_416 = tpu.memref_slice %arg3[%arg1, %add3A_404, %dma_wait3A_415] : memref<16x320x128xi32, #tpu.memory_space<hbm>> -> memref<1x1x128xi32, #tpu.memory_space<hbm>>
        %dma_wait3A_417 = tpu.memref_squeeze %dma_wait3A_416 : memref<1x1x128xi32, #tpu.memory_space<hbm>> -> memref<128xi32, #tpu.memory_space<hbm>>
        tpu.wait_dma2 semaphore(%arg22 : memref<!tpu.dma_semaphore, #tpu.memory_space<semaphore_mem>>) src(%dma_wait3A_417 : memref<128xi32, #tpu.memory_space<hbm>>) dst(%dma_wait3A_414 : memref<128xi32, #tpu.memory_space<vmem>>)
        %dma_wait3A_418 = arith.constant 0 : i32
        %dma_wait3A_419 = arith.constant 0 : i32
        %dma_wait3A_420 = tpu.memref_slice %arg7[%dma_wait3A_418, %dma_wait3A_419] : memref<8x128xi32, #tpu.memory_space<vmem>> -> memref<1x128xi32, #tpu.memory_space<vmem>>
        %dma_wait3A_421 = tpu.memref_squeeze %dma_wait3A_420 : memref<1x128xi32, #tpu.memory_space<vmem>> -> memref<128xi32, #tpu.memory_space<vmem>>
        %dma_wait3A_422 = arith.constant 0 : i32
        %dma_wait3A_423 = tpu.memref_slice %arg4[%arg1, %add3A_404, %dma_wait3A_422] : memref<16x320x128xi32, #tpu.memory_space<hbm>> -> memref<1x1x128xi32, #tpu.memory_space<hbm>>
        %dma_wait3A_424 = tpu.memref_squeeze %dma_wait3A_423 : memref<1x1x128xi32, #tpu.memory_space<hbm>> -> memref<128xi32, #tpu.memory_space<hbm>>
        %dma_wait3A_425 = arith.constant 0 : i32
        %dma_wait3A_426 = tpu.memref_slice %arg7[%dma_wait3A_418, %dma_wait3A_425] : memref<8x128xi32, #tpu.memory_space<vmem>> -> memref<1x128xi32, #tpu.memory_space<vmem>>
        %dma_wait3A_427 = tpu.memref_squeeze %dma_wait3A_426 : memref<1x128xi32, #tpu.memory_space<vmem>> -> memref<128xi32, #tpu.memory_space<vmem>>
        %dma_wait3A_428 = arith.constant 0 : i32
        %dma_wait3A_429 = tpu.memref_slice %arg4[%arg1, %add3A_404, %dma_wait3A_428] : memref<16x320x128xi32, #tpu.memory_space<hbm>> -> memref<1x1x128xi32, #tpu.memory_space<hbm>>
        %dma_wait3A_430 = tpu.memref_squeeze %dma_wait3A_429 : memref<1x1x128xi32, #tpu.memory_space<hbm>> -> memref<128xi32, #tpu.memory_space<hbm>>
        tpu.wait_dma2 semaphore(%arg22 : memref<!tpu.dma_semaphore, #tpu.memory_space<semaphore_mem>>) src(%dma_wait3A_430 : memref<128xi32, #tpu.memory_space<hbm>>) dst(%dma_wait3A_427 : memref<128xi32, #tpu.memory_space<vmem>>)
        %dma_start3A_431 = arith.constant 0 : i32
        %dma_start3A_432 = arith.constant 0 : i32
        %dma_start3A_433 = tpu.memref_slice %arg7[%dma_start3A_431, %dma_start3A_432] : memref<8x128xi32, #tpu.memory_space<vmem>> -> memref<1x128xi32, #tpu.memory_space<vmem>>
        %dma_start3A_434 = tpu.memref_squeeze %dma_start3A_433 : memref<1x128xi32, #tpu.memory_space<vmem>> -> memref<128xi32, #tpu.memory_space<vmem>>
        %dma_start3A_435 = arith.constant 0 : i32
        %dma_start3A_436 = arith.constant 0 : i32
        %dma_start3A_437 = tpu.memref_slice %arg12[%dma_start3A_435, %dma_start3A_436] : memref<10240x64xf32, #tpu.memory_space<vmem_shared>> -> memref<10240x64xf32, #tpu.memory_space<vmem_shared>>
        tpu.enqueue_indirect_dma source(%dma_start3A_437 : memref<10240x64xf32, #tpu.memory_space<vmem_shared>>) target(%arg8 : memref<128x64xf32, #tpu.memory_space<vmem>>) offsets(%dma_start3A_434 : memref<128xi32, #tpu.memory_space<vmem>>) semaphore(%arg14 : memref<!tpu.dma_semaphore, #tpu.memory_space<semaphore_mem>>)
      } else {
      }
      %add3A_373 = arith.constant 7 : i32
      %add3A_374 = arith.addi %add3A_228, %add3A_373 : i32
      %dma_wait3A_375 = arith.constant 7 : i32
      %dma_wait3A_376 = arith.constant 0 : i32
      %dma_wait3A_377 = tpu.memref_slice %arg7[%dma_wait3A_375, %dma_wait3A_376] : memref<8x128xi32, #tpu.memory_space<vmem>> -> memref<1x128xi32, #tpu.memory_space<vmem>>
      %dma_wait3A_378 = tpu.memref_squeeze %dma_wait3A_377 : memref<1x128xi32, #tpu.memory_space<vmem>> -> memref<128xi32, #tpu.memory_space<vmem>>
      %dma_wait3A_379 = arith.constant 0 : i32
      %dma_wait3A_380 = arith.constant 0 : i32
      %dma_wait3A_381 = tpu.memref_slice %arg12[%dma_wait3A_379, %dma_wait3A_380] : memref<10240x64xf32, #tpu.memory_space<vmem_shared>> -> memref<10240x64xf32, #tpu.memory_space<vmem_shared>>
      tpu.wait_indirect_dma semaphore(%arg17 : memref<!tpu.dma_semaphore, #tpu.memory_space<semaphore_mem>>) src(%dma_wait3A_381 : memref<10240x64xf32, #tpu.memory_space<vmem_shared>>) dst(%arg11 : memref<128x64xf32, #tpu.memory_space<vmem>>)
      %dma_start3A_382 = arith.constant 7 : i32
      %dma_start3A_383 = arith.constant 0 : i32
      %dma_start3A_384 = tpu.memref_slice %arg6[%dma_start3A_382, %dma_start3A_383] : memref<8x128xi32, #tpu.memory_space<vmem>> -> memref<1x128xi32, #tpu.memory_space<vmem>>
      %dma_start3A_385 = tpu.memref_squeeze %dma_start3A_384 : memref<1x128xi32, #tpu.memory_space<vmem>> -> memref<128xi32, #tpu.memory_space<vmem>>
      %dma_start3A_386 = arith.constant 0 : i32
      %dma_start3A_387 = arith.constant 0 : i32
      %dma_start3A_388 = tpu.memref_slice %arg13[%dma_start3A_386, %dma_start3A_387] : memref<10240x64xf32, #tpu.memory_space<vmem_shared>> -> memref<10240x64xf32, #tpu.memory_space<vmem_shared>>
      tpu.enqueue_indirect_dma source(%arg11 : memref<128x64xf32, #tpu.memory_space<vmem>>) target(%dma_start3A_388 : memref<10240x64xf32, #tpu.memory_space<vmem_shared>>) offsets(%dma_start3A_385 : memref<128xi32, #tpu.memory_space<vmem>>) semaphore(%arg21 : memref<!tpu.dma_semaphore, #tpu.memory_space<semaphore_mem>>) {add = true}
      %lt3A_389 = arith.constant 318 : i32
      %lt3A_390 = arith.cmpi slt, %add3A_374, %lt3A_389 : i32
      %convert_element_type3A_391 = arith.extui %lt3A_390 : i1 to i32
      %cond3A_392 = arith.constant 0 : i32
      %cond3A_393 = arith.cmpi ne, %convert_element_type3A_391, %cond3A_392 : i32
      scf.if %cond3A_393 {
        %ge3A = arith.constant 2 : i32
        %ge3A_394 = arith.cmpi sge, %add3A_374, %ge3A : i32
        %convert_element_type3A_395 = arith.extui %ge3A_394 : i1 to i32
        %cond3A_396 = arith.constant 0 : i32
        %cond3A_397 = arith.cmpi ne, %convert_element_type3A_395, %cond3A_396 : i32
        scf.if %cond3A_397 {
          %dma_wait3A_438 = arith.constant 5 : i32
          %dma_wait3A_439 = arith.constant 0 : i32
          %dma_wait3A_440 = tpu.memref_slice %arg6[%dma_wait3A_438, %dma_wait3A_439] : memref<8x128xi32, #tpu.memory_space<vmem>> -> memref<1x128xi32, #tpu.memory_space<vmem>>
          %dma_wait3A_441 = tpu.memref_squeeze %dma_wait3A_440 : memref<1x128xi32, #tpu.memory_space<vmem>> -> memref<128xi32, #tpu.memory_space<vmem>>
          %dma_wait3A_442 = arith.constant 0 : i32
          %dma_wait3A_443 = arith.constant 0 : i32
          %dma_wait3A_444 = tpu.memref_slice %arg13[%dma_wait3A_442, %dma_wait3A_443] : memref<10240x64xf32, #tpu.memory_space<vmem_shared>> -> memref<10240x64xf32, #tpu.memory_space<vmem_shared>>
          tpu.wait_indirect_dma semaphore(%arg19 : memref<!tpu.dma_semaphore, #tpu.memory_space<semaphore_mem>>) src(%arg9 : memref<128x64xf32, #tpu.memory_space<vmem>>) dst(%dma_wait3A_444 : memref<10240x64xf32, #tpu.memory_space<vmem_shared>>)
        } else {
        }
        %lt3A_398 = arith.constant 316 : i32
        %lt3A_399 = arith.cmpi slt, %add3A_374, %lt3A_398 : i32
        %convert_element_type3A_400 = arith.extui %lt3A_399 : i1 to i32
        %cond3A_401 = arith.constant 0 : i32
        %cond3A_402 = arith.cmpi ne, %convert_element_type3A_400, %cond3A_401 : i32
        scf.if %cond3A_402 {
          %add3A_438 = arith.constant 4 : i32
          %add3A_439 = arith.addi %add3A_374, %add3A_438 : i32
          %dma_start3A_440 = arith.constant 3 : i32
          %dma_start3A_441 = arith.constant 0 : i32
          %dma_start3A_442 = tpu.memref_slice %arg6[%dma_start3A_440, %dma_start3A_441] : memref<8x128xi32, #tpu.memory_space<vmem>> -> memref<1x128xi32, #tpu.memory_space<vmem>>
          %dma_start3A_443 = tpu.memref_squeeze %dma_start3A_442 : memref<1x128xi32, #tpu.memory_space<vmem>> -> memref<128xi32, #tpu.memory_space<vmem>>
          %dma_start3A_444 = arith.constant 0 : i32
          %dma_start3A_445 = tpu.memref_slice %arg3[%arg1, %add3A_439, %dma_start3A_444] : memref<16x320x128xi32, #tpu.memory_space<hbm>> -> memref<1x1x128xi32, #tpu.memory_space<hbm>>
          %dma_start3A_446 = tpu.memref_squeeze %dma_start3A_445 : memref<1x1x128xi32, #tpu.memory_space<hbm>> -> memref<128xi32, #tpu.memory_space<hbm>>
          %dma_start3A_447 = arith.constant 0 : i32
          %dma_start3A_448 = tpu.memref_slice %arg6[%dma_start3A_440, %dma_start3A_447] : memref<8x128xi32, #tpu.memory_space<vmem>> -> memref<1x128xi32, #tpu.memory_space<vmem>>
          %dma_start3A_449 = tpu.memref_squeeze %dma_start3A_448 : memref<1x128xi32, #tpu.memory_space<vmem>> -> memref<128xi32, #tpu.memory_space<vmem>>
          %dma_start3A_450 = arith.constant 0 : i32
          %dma_start3A_451 = tpu.memref_slice %arg3[%arg1, %add3A_439, %dma_start3A_450] : memref<16x320x128xi32, #tpu.memory_space<hbm>> -> memref<1x1x128xi32, #tpu.memory_space<hbm>>
          %dma_start3A_452 = tpu.memref_squeeze %dma_start3A_451 : memref<1x1x128xi32, #tpu.memory_space<hbm>> -> memref<128xi32, #tpu.memory_space<hbm>>
          tpu.enqueue_dma source(%dma_start3A_452 : memref<128xi32, #tpu.memory_space<hbm>>) target(%dma_start3A_449 : memref<128xi32, #tpu.memory_space<vmem>>) target_semaphore(%arg25 : memref<!tpu.dma_semaphore, #tpu.memory_space<semaphore_mem>>)
          %dma_start3A_453 = arith.constant 3 : i32
          %dma_start3A_454 = arith.constant 0 : i32
          %dma_start3A_455 = tpu.memref_slice %arg7[%dma_start3A_453, %dma_start3A_454] : memref<8x128xi32, #tpu.memory_space<vmem>> -> memref<1x128xi32, #tpu.memory_space<vmem>>
          %dma_start3A_456 = tpu.memref_squeeze %dma_start3A_455 : memref<1x128xi32, #tpu.memory_space<vmem>> -> memref<128xi32, #tpu.memory_space<vmem>>
          %dma_start3A_457 = arith.constant 0 : i32
          %dma_start3A_458 = tpu.memref_slice %arg4[%arg1, %add3A_439, %dma_start3A_457] : memref<16x320x128xi32, #tpu.memory_space<hbm>> -> memref<1x1x128xi32, #tpu.memory_space<hbm>>
          %dma_start3A_459 = tpu.memref_squeeze %dma_start3A_458 : memref<1x1x128xi32, #tpu.memory_space<hbm>> -> memref<128xi32, #tpu.memory_space<hbm>>
          %dma_start3A_460 = arith.constant 0 : i32
          %dma_start3A_461 = tpu.memref_slice %arg7[%dma_start3A_453, %dma_start3A_460] : memref<8x128xi32, #tpu.memory_space<vmem>> -> memref<1x128xi32, #tpu.memory_space<vmem>>
          %dma_start3A_462 = tpu.memref_squeeze %dma_start3A_461 : memref<1x128xi32, #tpu.memory_space<vmem>> -> memref<128xi32, #tpu.memory_space<vmem>>
          %dma_start3A_463 = arith.constant 0 : i32
          %dma_start3A_464 = tpu.memref_slice %arg4[%arg1, %add3A_439, %dma_start3A_463] : memref<16x320x128xi32, #tpu.memory_space<hbm>> -> memref<1x1x128xi32, #tpu.memory_space<hbm>>
          %dma_start3A_465 = tpu.memref_squeeze %dma_start3A_464 : memref<1x1x128xi32, #tpu.memory_space<hbm>> -> memref<128xi32, #tpu.memory_space<hbm>>
          tpu.enqueue_dma source(%dma_start3A_465 : memref<128xi32, #tpu.memory_space<hbm>>) target(%dma_start3A_462 : memref<128xi32, #tpu.memory_space<vmem>>) target_semaphore(%arg25 : memref<!tpu.dma_semaphore, #tpu.memory_space<semaphore_mem>>)
        } else {
        }
        %add3A_403 = arith.constant 2 : i32
        %add3A_404 = arith.addi %add3A_374, %add3A_403 : i32
        %dma_wait3A_405 = arith.constant 1 : i32
        %dma_wait3A_406 = arith.constant 0 : i32
        %dma_wait3A_407 = tpu.memref_slice %arg6[%dma_wait3A_405, %dma_wait3A_406] : memref<8x128xi32, #tpu.memory_space<vmem>> -> memref<1x128xi32, #tpu.memory_space<vmem>>
        %dma_wait3A_408 = tpu.memref_squeeze %dma_wait3A_407 : memref<1x128xi32, #tpu.memory_space<vmem>> -> memref<128xi32, #tpu.memory_space<vmem>>
        %dma_wait3A_409 = arith.constant 0 : i32
        %dma_wait3A_410 = tpu.memref_slice %arg3[%arg1, %add3A_404, %dma_wait3A_409] : memref<16x320x128xi32, #tpu.memory_space<hbm>> -> memref<1x1x128xi32, #tpu.memory_space<hbm>>
        %dma_wait3A_411 = tpu.memref_squeeze %dma_wait3A_410 : memref<1x1x128xi32, #tpu.memory_space<hbm>> -> memref<128xi32, #tpu.memory_space<hbm>>
        %dma_wait3A_412 = arith.constant 0 : i32
        %dma_wait3A_413 = tpu.memref_slice %arg6[%dma_wait3A_405, %dma_wait3A_412] : memref<8x128xi32, #tpu.memory_space<vmem>> -> memref<1x128xi32, #tpu.memory_space<vmem>>
        %dma_wait3A_414 = tpu.memref_squeeze %dma_wait3A_413 : memref<1x128xi32, #tpu.memory_space<vmem>> -> memref<128xi32, #tpu.memory_space<vmem>>
        %dma_wait3A_415 = arith.constant 0 : i32
        %dma_wait3A_416 = tpu.memref_slice %arg3[%arg1, %add3A_404, %dma_wait3A_415] : memref<16x320x128xi32, #tpu.memory_space<hbm>> -> memref<1x1x128xi32, #tpu.memory_space<hbm>>
        %dma_wait3A_417 = tpu.memref_squeeze %dma_wait3A_416 : memref<1x1x128xi32, #tpu.memory_space<hbm>> -> memref<128xi32, #tpu.memory_space<hbm>>
        tpu.wait_dma2 semaphore(%arg23 : memref<!tpu.dma_semaphore, #tpu.memory_space<semaphore_mem>>) src(%dma_wait3A_417 : memref<128xi32, #tpu.memory_space<hbm>>) dst(%dma_wait3A_414 : memref<128xi32, #tpu.memory_space<vmem>>)
        %dma_wait3A_418 = arith.constant 1 : i32
        %dma_wait3A_419 = arith.constant 0 : i32
        %dma_wait3A_420 = tpu.memref_slice %arg7[%dma_wait3A_418, %dma_wait3A_419] : memref<8x128xi32, #tpu.memory_space<vmem>> -> memref<1x128xi32, #tpu.memory_space<vmem>>
        %dma_wait3A_421 = tpu.memref_squeeze %dma_wait3A_420 : memref<1x128xi32, #tpu.memory_space<vmem>> -> memref<128xi32, #tpu.memory_space<vmem>>
        %dma_wait3A_422 = arith.constant 0 : i32
        %dma_wait3A_423 = tpu.memref_slice %arg4[%arg1, %add3A_404, %dma_wait3A_422] : memref<16x320x128xi32, #tpu.memory_space<hbm>> -> memref<1x1x128xi32, #tpu.memory_space<hbm>>
        %dma_wait3A_424 = tpu.memref_squeeze %dma_wait3A_423 : memref<1x1x128xi32, #tpu.memory_space<hbm>> -> memref<128xi32, #tpu.memory_space<hbm>>
        %dma_wait3A_425 = arith.constant 0 : i32
        %dma_wait3A_426 = tpu.memref_slice %arg7[%dma_wait3A_418, %dma_wait3A_425] : memref<8x128xi32, #tpu.memory_space<vmem>> -> memref<1x128xi32, #tpu.memory_space<vmem>>
        %dma_wait3A_427 = tpu.memref_squeeze %dma_wait3A_426 : memref<1x128xi32, #tpu.memory_space<vmem>> -> memref<128xi32, #tpu.memory_space<vmem>>
        %dma_wait3A_428 = arith.constant 0 : i32
        %dma_wait3A_429 = tpu.memref_slice %arg4[%arg1, %add3A_404, %dma_wait3A_428] : memref<16x320x128xi32, #tpu.memory_space<hbm>> -> memref<1x1x128xi32, #tpu.memory_space<hbm>>
        %dma_wait3A_430 = tpu.memref_squeeze %dma_wait3A_429 : memref<1x1x128xi32, #tpu.memory_space<hbm>> -> memref<128xi32, #tpu.memory_space<hbm>>
        tpu.wait_dma2 semaphore(%arg23 : memref<!tpu.dma_semaphore, #tpu.memory_space<semaphore_mem>>) src(%dma_wait3A_430 : memref<128xi32, #tpu.memory_space<hbm>>) dst(%dma_wait3A_427 : memref<128xi32, #tpu.memory_space<vmem>>)
        %dma_start3A_431 = arith.constant 1 : i32
        %dma_start3A_432 = arith.constant 0 : i32
        %dma_start3A_433 = tpu.memref_slice %arg7[%dma_start3A_431, %dma_start3A_432] : memref<8x128xi32, #tpu.memory_space<vmem>> -> memref<1x128xi32, #tpu.memory_space<vmem>>
        %dma_start3A_434 = tpu.memref_squeeze %dma_start3A_433 : memref<1x128xi32, #tpu.memory_space<vmem>> -> memref<128xi32, #tpu.memory_space<vmem>>
        %dma_start3A_435 = arith.constant 0 : i32
        %dma_start3A_436 = arith.constant 0 : i32
        %dma_start3A_437 = tpu.memref_slice %arg12[%dma_start3A_435, %dma_start3A_436] : memref<10240x64xf32, #tpu.memory_space<vmem_shared>> -> memref<10240x64xf32, #tpu.memory_space<vmem_shared>>
        tpu.enqueue_indirect_dma source(%dma_start3A_437 : memref<10240x64xf32, #tpu.memory_space<vmem_shared>>) target(%arg9 : memref<128x64xf32, #tpu.memory_space<vmem>>) offsets(%dma_start3A_434 : memref<128xi32, #tpu.memory_space<vmem>>) semaphore(%arg15 : memref<!tpu.dma_semaphore, #tpu.memory_space<semaphore_mem>>)
      } else {
      }
    }
    %scan3A_195 = arith.constant 40 : i32
    %dma_wait3A_196 = arith.constant 0 : i32
    %dma_wait3A_197 = arith.constant 0 : i32
    %dma_wait3A_198 = tpu.memref_slice %arg6[%dma_wait3A_196, %dma_wait3A_197] : memref<8x128xi32, #tpu.memory_space<vmem>> -> memref<1x128xi32, #tpu.memory_space<vmem>>
    %dma_wait3A_199 = tpu.memref_squeeze %dma_wait3A_198 : memref<1x128xi32, #tpu.memory_space<vmem>> -> memref<128xi32, #tpu.memory_space<vmem>>
    %dma_wait3A_200 = arith.constant 0 : i32
    %dma_wait3A_201 = arith.constant 0 : i32
    %dma_wait3A_202 = tpu.memref_slice %arg13[%dma_wait3A_200, %dma_wait3A_201] : memref<10240x64xf32, #tpu.memory_space<vmem_shared>> -> memref<10240x64xf32, #tpu.memory_space<vmem_shared>>
    tpu.wait_indirect_dma semaphore(%arg18 : memref<!tpu.dma_semaphore, #tpu.memory_space<semaphore_mem>>) src(%arg8 : memref<128x64xf32, #tpu.memory_space<vmem>>) dst(%dma_wait3A_202 : memref<10240x64xf32, #tpu.memory_space<vmem_shared>>)
    %dma_wait3A_203 = arith.constant 1 : i32
    %dma_wait3A_204 = arith.constant 0 : i32
    %dma_wait3A_205 = tpu.memref_slice %arg6[%dma_wait3A_203, %dma_wait3A_204] : memref<8x128xi32, #tpu.memory_space<vmem>> -> memref<1x128xi32, #tpu.memory_space<vmem>>
    %dma_wait3A_206 = tpu.memref_squeeze %dma_wait3A_205 : memref<1x128xi32, #tpu.memory_space<vmem>> -> memref<128xi32, #tpu.memory_space<vmem>>
    %dma_wait3A_207 = arith.constant 0 : i32
    %dma_wait3A_208 = arith.constant 0 : i32
    %dma_wait3A_209 = tpu.memref_slice %arg13[%dma_wait3A_207, %dma_wait3A_208] : memref<10240x64xf32, #tpu.memory_space<vmem_shared>> -> memref<10240x64xf32, #tpu.memory_space<vmem_shared>>
    tpu.wait_indirect_dma semaphore(%arg19 : memref<!tpu.dma_semaphore, #tpu.memory_space<semaphore_mem>>) src(%arg9 : memref<128x64xf32, #tpu.memory_space<vmem>>) dst(%dma_wait3A_209 : memref<10240x64xf32, #tpu.memory_space<vmem_shared>>)
    %dma_wait3A_210 = arith.constant 2 : i32
    %dma_wait3A_211 = arith.constant 0 : i32
    %dma_wait3A_212 = tpu.memref_slice %arg6[%dma_wait3A_210, %dma_wait3A_211] : memref<8x128xi32, #tpu.memory_space<vmem>> -> memref<1x128xi32, #tpu.memory_space<vmem>>
    %dma_wait3A_213 = tpu.memref_squeeze %dma_wait3A_212 : memref<1x128xi32, #tpu.memory_space<vmem>> -> memref<128xi32, #tpu.memory_space<vmem>>
    %dma_wait3A_214 = arith.constant 0 : i32
    %dma_wait3A_215 = arith.constant 0 : i32
    %dma_wait3A_216 = tpu.memref_slice %arg13[%dma_wait3A_214, %dma_wait3A_215] : memref<10240x64xf32, #tpu.memory_space<vmem_shared>> -> memref<10240x64xf32, #tpu.memory_space<vmem_shared>>
    tpu.wait_indirect_dma semaphore(%arg20 : memref<!tpu.dma_semaphore, #tpu.memory_space<semaphore_mem>>) src(%arg10 : memref<128x64xf32, #tpu.memory_space<vmem>>) dst(%dma_wait3A_216 : memref<10240x64xf32, #tpu.memory_space<vmem_shared>>)
    %dma_wait3A_217 = arith.constant 3 : i32
    %dma_wait3A_218 = arith.constant 0 : i32
    %dma_wait3A_219 = tpu.memref_slice %arg6[%dma_wait3A_217, %dma_wait3A_218] : memref<8x128xi32, #tpu.memory_space<vmem>> -> memref<1x128xi32, #tpu.memory_space<vmem>>
    %dma_wait3A_220 = tpu.memref_squeeze %dma_wait3A_219 : memref<1x128xi32, #tpu.memory_space<vmem>> -> memref<128xi32, #tpu.memory_space<vmem>>
    %dma_wait3A_221 = arith.constant 0 : i32
    %dma_wait3A_222 = arith.constant 0 : i32
    %dma_wait3A_223 = tpu.memref_slice %arg13[%dma_wait3A_221, %dma_wait3A_222] : memref<10240x64xf32, #tpu.memory_space<vmem_shared>> -> memref<10240x64xf32, #tpu.memory_space<vmem_shared>>
    tpu.wait_indirect_dma semaphore(%arg21 : memref<!tpu.dma_semaphore, #tpu.memory_space<semaphore_mem>>) src(%arg11 : memref<128x64xf32, #tpu.memory_space<vmem>>) dst(%dma_wait3A_223 : memref<10240x64xf32, #tpu.memory_space<vmem_shared>>)
    %barrier3A_224 = arith.constant 0 : index
    tpu.barrier barrier_id(%barrier3A_224)
    "tpu.region"() ({
      %run_scoped3A = tpu.sem_alloc : memref<!tpu.dma_semaphore, #tpu.memory_space<semaphore_mem>>
      %dma_start3A_225 = arith.constant 0 : i32
      %dma_start3A_226 = tpu.memref_slice %arg5[%arg0, %mul3A_5, %dma_start3A_225] : memref<2x10240x64xf32, #tpu.memory_space<hbm>> -> memref<1x640x64xf32, #tpu.memory_space<hbm>>
      %dma_start3A_227 = tpu.memref_squeeze %dma_start3A_226 : memref<1x640x64xf32, #tpu.memory_space<hbm>> -> memref<640x64xf32, #tpu.memory_space<hbm>>
      %dma_start3A_228 = arith.constant 0 : i32
      %dma_start3A_229 = tpu.memref_slice %arg13[%mul3A_5, %dma_start3A_228] : memref<10240x64xf32, #tpu.memory_space<vmem_shared>> -> memref<640x64xf32, #tpu.memory_space<vmem_shared>>
      tpu.enqueue_dma source(%dma_start3A_229 : memref<640x64xf32, #tpu.memory_space<vmem_shared>>) target(%dma_start3A_227 : memref<640x64xf32, #tpu.memory_space<hbm>>) target_semaphore(%run_scoped3A : memref<!tpu.dma_semaphore, #tpu.memory_space<semaphore_mem>>)
      %dma_wait3A_230 = arith.constant 0 : i32
      %dma_wait3A_231 = tpu.memref_slice %arg5[%arg0, %mul3A_5, %dma_wait3A_230] : memref<2x10240x64xf32, #tpu.memory_space<hbm>> -> memref<1x640x64xf32, #tpu.memory_space<hbm>>
      %dma_wait3A_232 = tpu.memref_squeeze %dma_wait3A_231 : memref<1x640x64xf32, #tpu.memory_space<hbm>> -> memref<640x64xf32, #tpu.memory_space<hbm>>
      %dma_wait3A_233 = arith.constant 0 : i32
      %dma_wait3A_234 = tpu.memref_slice %arg13[%mul3A_5, %dma_wait3A_233] : memref<10240x64xf32, #tpu.memory_space<vmem_shared>> -> memref<640x64xf32, #tpu.memory_space<vmem_shared>>
      tpu.wait_dma2 semaphore(%run_scoped3A : memref<!tpu.dma_semaphore, #tpu.memory_space<semaphore_mem>>) src(%dma_wait3A_234 : memref<640x64xf32, #tpu.memory_space<vmem_shared>>) dst(%dma_wait3A_232 : memref<640x64xf32, #tpu.memory_space<hbm>>)
      tpu.yield
    }) : () -> ()
    return
  }
}

module attributes {stable_mosaic.version = 14 : i64} {
  func.func @_mm_body(%arg0: i32, %arg1: memref<1280x128xf32, #tpu.memory_space<vmem>>, %arg2: memref<128x128xf32, #tpu.memory_space<vmem>>, %arg3: memref<1x128xf32, #tpu.memory_space<vmem>>, %arg4: memref<2x1280x64xf32, #tpu.memory_space<vmem>>) attributes {dimension_semantics = [#tpu.dimension_semantics<arbitrary>], iteration_bounds = array<i64: 8>, scalar_prefetch = 0 : i64, scratch_operands = 0 : i64, tpu.core_type = #tpu.core_type<tc>, window_params = [{transform_indices = @transform_0, window_bounds = array<i64: 1280, 128>}, {pipeline_mode = #tpu.pipeline_mode<synchronous>, transform_indices = @transform_1, window_bounds = array<i64: 128, 128>}, {pipeline_mode = #tpu.pipeline_mode<synchronous>, transform_indices = @transform_2, window_bounds = array<i64: 1, 128>}, {transform_indices = @transform_3, window_bounds = array<i64: 2, 1280, 64>}]} {
    %get3A = arith.constant 0 : index
    %get3A_0 = arith.constant 0 : index
    %get3A_1 = vector.load %arg1[%get3A, %get3A_0] : memref<1280x128xf32, #tpu.memory_space<vmem>>, vector<1280x128xf32>
    %get3A_2 = arith.constant 0 : index
    %get3A_3 = arith.constant 0 : index
    %get3A_4 = vector.load %arg2[%get3A_2, %get3A_3] : memref<128x128xf32, #tpu.memory_space<vmem>>, vector<128x128xf32>
    %dot_general3A = arith.constant dense<0.000000e+00> : vector<1280x128xf32>
    %dot_general3A_5 = tpu.matmul %get3A_1, %get3A_4, %dot_general3A {dimension_numbers = #tpu.dot_dimension_numbers<[1], [1], [0], [0], [0, 0, 1, 0], [], []>, transpose_lhs_hint = false} : vector<1280x128xf32>, vector<128x128xf32>, vector<1280x128xf32> -> vector<1280x128xf32>
    %get3A_6 = arith.constant 0 : index
    %get3A_7 = arith.constant 0 : index
    %get3A_8 = vector.load %arg3[%get3A_6, %get3A_7] : memref<1x128xf32, #tpu.memory_space<vmem>>, vector<1x128xf32>
    %add3A = vector.broadcast %get3A_8 : vector<1x128xf32> to vector<1280x128xf32>
    %add3A_9 = arith.addf %dot_general3A_5, %add3A : vector<1280x128xf32>
    %slice3A = vector.extract_strided_slice %add3A_9 {offsets = [0, 0], sizes = [1280, 64], strides = [1, 1]} : vector<1280x128xf32> to vector<1280x64xf32>
    %swap3A = arith.constant 0 : index
    %swap3A_10 = arith.constant 0 : index
    %swap3A_11 = arith.constant 0 : index
    %swap3A_12 = vector.load %arg4[%swap3A, %swap3A_10, %swap3A_11] : memref<2x1280x64xf32, #tpu.memory_space<vmem>>, vector<1x1280x64xf32>
    %swap3A_13 = vector.shape_cast %swap3A_12 : vector<1x1280x64xf32> to vector<1280x64xf32>
    %swap3A_14 = vector.shape_cast %slice3A : vector<1280x64xf32> to vector<1x1280x64xf32>
    tpu.vector_store %arg4[%swap3A, %swap3A_10, %swap3A_11], %swap3A_14 {strides = array<i32>} : memref<2x1280x64xf32, #tpu.memory_space<vmem>>, vector<1x1280x64xf32>,
    %slice3A_15 = vector.extract_strided_slice %add3A_9 {offsets = [0, 64], sizes = [1280, 64], strides = [1, 1]} : vector<1280x128xf32> to vector<1280x64xf32>
    %swap3A_16 = arith.constant 1 : index
    %swap3A_17 = arith.constant 0 : index
    %swap3A_18 = arith.constant 0 : index
    %swap3A_19 = vector.load %arg4[%swap3A_16, %swap3A_17, %swap3A_18] : memref<2x1280x64xf32, #tpu.memory_space<vmem>>, vector<1x1280x64xf32>
    %swap3A_20 = vector.shape_cast %swap3A_19 : vector<1x1280x64xf32> to vector<1280x64xf32>
    %swap3A_21 = vector.shape_cast %slice3A_15 : vector<1280x64xf32> to vector<1x1280x64xf32>
    tpu.vector_store %arg4[%swap3A_16, %swap3A_17, %swap3A_18], %swap3A_21 {strides = array<i32>} : memref<2x1280x64xf32, #tpu.memory_space<vmem>>, vector<1x1280x64xf32>,
    return
  }
  func.func @transform_0(%arg0: i32) -> (i32, i32) {
    %c0_i32 = arith.constant 0 : i32
    %c0_i32_0 = arith.constant 0 : i32
    return %arg0, %c0_i32 : i32, i32
  }
  func.func @transform_1(%arg0: i32) -> (i32, i32) {
    %c0_i32 = arith.constant 0 : i32
    %c0_i32_0 = arith.constant 0 : i32
    %c0_i32_1 = arith.constant 0 : i32
    return %c0_i32, %c0_i32_0 : i32, i32
  }
  func.func @transform_2(%arg0: i32) -> (i32, i32) {
    %c0_i32 = arith.constant 0 : i32
    %c0_i32_0 = arith.constant 0 : i32
    %c0_i32_1 = arith.constant 0 : i32
    return %c0_i32, %c0_i32_0 : i32, i32
  }
  func.func @transform_3(%arg0: i32) -> (i32, i32, i32) {
    %c0_i32 = arith.constant 0 : i32
    %c0_i32_0 = arith.constant 0 : i32
    %c0_i32_1 = arith.constant 0 : i32
    return %c0_i32, %arg0, %c0_i32_0 : i32, i32, i32
  }
}

module attributes {stable_mosaic.version = 14 : i64} {
  func.func @_combine_body(%arg0: i32, %arg1: memref<400x128xf32, #tpu.memory_space<vmem>>, %arg2: memref<128x128xf32, #tpu.memory_space<vmem>>, %arg3: memref<1x128xf32, #tpu.memory_space<vmem>>, %arg4: memref<1x400x64xf32, #tpu.memory_space<vmem>>, %arg5: memref<1x400x64xf32, #tpu.memory_space<vmem>>, %arg6: memref<400x128xf32, #tpu.memory_space<vmem>>) attributes {dimension_semantics = [#tpu.dimension_semantics<arbitrary>], iteration_bounds = array<i64: 25>, scalar_prefetch = 0 : i64, scratch_operands = 0 : i64, tpu.core_type = #tpu.core_type<tc>, window_params = [{transform_indices = @transform_0, window_bounds = array<i64: 400, 128>}, {pipeline_mode = #tpu.pipeline_mode<synchronous>, transform_indices = @transform_1, window_bounds = array<i64: 128, 128>}, {pipeline_mode = #tpu.pipeline_mode<synchronous>, transform_indices = @transform_2, window_bounds = array<i64: 1, 128>}, {transform_indices = @transform_3, window_bounds = array<i64: 1, 400, 64>}, {transform_indices = @transform_4, window_bounds = array<i64: 1, 400, 64>}, {transform_indices = @transform_5, window_bounds = array<i64: 400, 128>}]} {
    %get3A = arith.constant 0 : index
    %get3A_0 = arith.constant 0 : index
    %get3A_1 = arith.constant 0 : index
    %get3A_2 = vector.load %arg4[%get3A, %get3A_0, %get3A_1] : memref<1x400x64xf32, #tpu.memory_space<vmem>>, vector<1x400x64xf32>
    %get3A_3 = vector.shape_cast %get3A_2 : vector<1x400x64xf32> to vector<400x64xf32>
    %get3A_4 = arith.constant 0 : index
    %get3A_5 = arith.constant 0 : index
    %get3A_6 = arith.constant 0 : index
    %get3A_7 = vector.load %arg5[%get3A_4, %get3A_5, %get3A_6] : memref<1x400x64xf32, #tpu.memory_space<vmem>>, vector<1x400x64xf32>
    %get3A_8 = vector.shape_cast %get3A_7 : vector<1x400x64xf32> to vector<400x64xf32>
    %concatenate3A = tpu.concatenate %get3A_3, %get3A_8 in 1 : vector<400x64xf32>, vector<400x64xf32> -> vector<400x128xf32>
    %get3A_9 = arith.constant 0 : index
    %get3A_10 = arith.constant 0 : index
    %get3A_11 = vector.load %arg1[%get3A_9, %get3A_10] : memref<400x128xf32, #tpu.memory_space<vmem>>, vector<400x128xf32>
    %get3A_12 = arith.constant 0 : index
    %get3A_13 = arith.constant 0 : index
    %get3A_14 = vector.load %arg2[%get3A_12, %get3A_13] : memref<128x128xf32, #tpu.memory_space<vmem>>, vector<128x128xf32>
    %dot_general3A = arith.constant dense<0.000000e+00> : vector<400x128xf32>
    %dot_general3A_15 = tpu.matmul %get3A_11, %get3A_14, %dot_general3A {dimension_numbers = #tpu.dot_dimension_numbers<[1], [1], [0], [0], [0, 0, 1, 0], [], []>, transpose_lhs_hint = false} : vector<400x128xf32>, vector<128x128xf32>, vector<400x128xf32> -> vector<400x128xf32>
    %get3A_16 = arith.constant 0 : index
    %get3A_17 = arith.constant 0 : index
    %get3A_18 = vector.load %arg3[%get3A_16, %get3A_17] : memref<1x128xf32, #tpu.memory_space<vmem>>, vector<1x128xf32>
    %add3A = vector.broadcast %get3A_18 : vector<1x128xf32> to vector<400x128xf32>
    %add3A_19 = arith.addf %dot_general3A_15, %add3A : vector<400x128xf32>
    %add3A_20 = arith.addf %add3A_19, %concatenate3A : vector<400x128xf32>
    %swap3A = arith.constant 0 : index
    %swap3A_21 = arith.constant 0 : index
    %swap3A_22 = vector.load %arg6[%swap3A, %swap3A_21] : memref<400x128xf32, #tpu.memory_space<vmem>>, vector<400x128xf32>
    tpu.vector_store %arg6[%swap3A, %swap3A_21], %add3A_20 {strides = array<i32>} : memref<400x128xf32, #tpu.memory_space<vmem>>, vector<400x128xf32>,
    return
  }
  func.func @transform_0(%arg0: i32) -> (i32, i32) {
    %c0_i32 = arith.constant 0 : i32
    %c0_i32_0 = arith.constant 0 : i32
    return %arg0, %c0_i32 : i32, i32
  }
  func.func @transform_1(%arg0: i32) -> (i32, i32) {
    %c0_i32 = arith.constant 0 : i32
    %c0_i32_0 = arith.constant 0 : i32
    %c0_i32_1 = arith.constant 0 : i32
    return %c0_i32, %c0_i32_0 : i32, i32
  }
  func.func @transform_2(%arg0: i32) -> (i32, i32) {
    %c0_i32 = arith.constant 0 : i32
    %c0_i32_0 = arith.constant 0 : i32
    %c0_i32_1 = arith.constant 0 : i32
    return %c0_i32, %c0_i32_0 : i32, i32
  }
  func.func @transform_3(%arg0: i32) -> (i32, i32, i32) {
    %c0_i32 = arith.constant 0 : i32
    %c0_i32_0 = arith.constant 0 : i32
    %c0_i32_1 = arith.constant 0 : i32
    return %c0_i32, %arg0, %c0_i32_0 : i32, i32, i32
  }
  func.func @transform_4(%arg0: i32) -> (i32, i32, i32) {
    %c1_i32 = arith.constant 1 : i32
    %c0_i32 = arith.constant 0 : i32
    %c0_i32_0 = arith.constant 0 : i32
    return %c1_i32, %arg0, %c0_i32 : i32, i32, i32
  }
  func.func @transform_5(%arg0: i32) -> (i32, i32) {
    %c0_i32 = arith.constant 0 : i32
    %c0_i32_0 = arith.constant 0 : i32
    return %arg0, %c0_i32 : i32, i32
  }
}

</mosaic_0001>

<sc_bundles>
// kernel: kernel.5.cloned.1.call-start
scs
__scs_entry_jumppad:
0x0: {  	(pc) =	sbr.rel $0x88, $3  }
0x1: {  	(tag) =	ssettag $0x0;
	lr =	simm.s32 $0x1  }
0x2: {  	[smem:$0x3F9B] =	sst lr;
	_ =	strace $0xD0000000  }
0x3: {  	_ = 	snop  }
0x4: {  	_ = 	snop  }
0x5: {  	_ = 	snop  }
0x6: {  	_ = 	snop  }
0x7: {  	_ = 	snop  }
__scs_overlays_trampoline_lowered:
0x8: {  	[smem:$0x3FAA] =	sst s0  }
0x9: {  	[smem:$0x3FAB] =	sst s1  }
0xa: {  	[smem:$0x3FAC] =	sst s2  }
0xb: {  	[smem:$0x3FAD] =	sst s3  }
0xc: {  	[smem:$0x3FAE] =	sst s4  }
0xd: {  	[smem:$0x3FAF] =	sst s5  }
0xe: {  	[smem:$0x3FB0] =	sst s6  }
0xf: {  	[smem:$0x3FB1] =	sst s7  }
0x10: {  	[smem:$0x3FB2] =	sst s8  }
0x11: {  	[smem:$0x3FB3] =	sst s9;
	s0 =	simm.s32 @!p0 $0x0  }
0x12: {  	s1 =	sld [smem:$0x3F99];
	s0 =	simm.s32 @p0 $0x1  }
0x13: {  	[smem:$0x3FB4] =	sst s0;
	s0 =	simm.s32 @!p1 $0x0  }
0x14: {  	s2 =	sld [smem:$0x3F98];
	s0 =	simm.s32 @p1 $0x1  }
0x15: {  	[smem:$0x3FB5] =	sst s0;
	s0 =	simm.s32 @!p2 $0x0  }
0x16: {  	s3 =	sld [smem:$0x3FDB];
	s0 =	simm.s32 @p2 $0x1  }
0x17: {  	s4 =	simm.s32 $0x1BF5;
	[smem:$0x3FB7] =	sst s0  }
0x18: {  	s0 =	sld [smem:$0x3F9A];
	_ =	swait.ge [sflag:s4], $0x0  }
0x19: {  	s7 =	sld [smem:$0x3F9B]  }
0x1a: {  	s8 =	sadd.s32 $0xFFFFE003, lr  }
0x1b: {  	s9 =	sadd.s32 $0xFFFFFEF7, lr;
	s5 =	simm.s32 $0xFFFFFFFF;
	p2 =	slt.u32 s8, $0xFFFFF086  }
0x1c: {  	p1 =	slt.u32 s9, $0xF7A;
	s5 =	simm.s32 @!p2 $0x0  }
0x1d: {  	s5 =	simm.s32 @p1 $0x1;
	p0 =	seq.s32 s7, s2  }
0x1e: {  	s7 =	smul.u32 @!p0 $0xF7A, s2;
	p2 =	seq.s32 @!p0 s5, $0x0  }
0x1f: {  	s9 =	smul.u32 $0xF7A, s1;
	s8 =	simm.s32 @!p0 $0x1BF5;
	p2 =	por !p2, p0  }
0x20: {  	[sflag:s8] =	ssyncset.s32 @!p0 $0xFFFFF086;
	s6 =	sadd.s32 @!p0 s3, s7;
	s7 =	simm.s32 @!p0 $0x108  }
0x21: {  	s3 =	sadd.s32 s3, s9;
	s6 =	sadd.s32 @!p0 $0x88, s6;
	s7 =	simm.s32 @p2 $0x1082  }
0x22: {  	[simem:s7], [sflag:s8] =	dma.local @!p0 [hbm:s6], $0xF7A  }
0x23: {  	s9 =	sor.u32 $0xD0000000, s2;
	s6 =	simm.s32 $0x108;
	_ =	swait.ge @!p0 [sflag:s8], $0x0  }
0x24: {  	s3 =	sadd.s32 $0x88, s3;
	s6 =	simm.s32 @!p1 $0x1082;
	[sflag:s4] =	ssyncset.s32 $0xFFFFF086  }
0x25: {  	[simem:s6], [sflag:s4] =	dma.local [hbm:s3], $0xF7A  }
0x26: {  	[smem:$0x3F9B] =	sst s1;
	(tag) =	ssettag s2;
	_ =	strace s9  }
0x27: {  	s1 =	sld [smem:$0x3FAB]  }
0x28: {  	s2 =	sld [smem:$0x3FAC]  }
0x29: {  	s4 =	sld [smem:$0x3FAE]  }
0x2a: {  	p0 =	seq.s32 s5, $0x0;
	s5 =	sld [smem:$0x3FAF]  }
0x2b: {  	s6 =	sld [smem:$0x3FB0]  }
0x2c: {  	s7 =	sld [smem:$0x3FB1]  }
0x2d: {  	s3 =	simm.s32 $0x108;
	s8 =	sld [smem:$0x3FB2]  }
0x2e: {  	s3 =	simm.s32 @!p0 $0x1082;
	s9 =	sld [smem:$0x3FB3]  }
0x2f: {  	lr =	sadd.s32 s0, s3;
	s0 =	sld [smem:$0x3FAA]  }
0x30: {  	s3 =	sld [smem:$0x3FAD]  }
0x31: {  	[smem:$0x3FB6] =	sst s10  }
0x32: {  	s10 =	sld [smem:$0x3FB4];
	_ =	sdelay $0x3  }
0x33: {  	p0 =	seq.s32 s10, $0x1;
	s10 =	sld [smem:$0x3FB6];
	_ =	sdelay $0x3  }
0x34: {  	[smem:$0x3FB6] =	sst s10  }
0x35: {  	s10 =	sld [smem:$0x3FB5];
	_ =	sdelay $0x3  }
0x36: {  	p1 =	seq.s32 s10, $0x1;
	s10 =	sld [smem:$0x3FB6];
	_ =	sdelay $0x3  }
0x37: {  	[smem:$0x3FB6] =	sst s10  }
0x38: {  	s10 =	sld [smem:$0x3FB7]  }
0x39: {  	_ = 	snop;
	(pc) =	sbr.ind lr, $3  }
0x3a: {  	_ = 	snop  }
0x3b: {  	_ = 	snop  }
0x3c: {  	p2 =	seq.s32 s10, $0x1;
	s10 =	sld [smem:$0x3FB6]  }
0x3d: {  	_ =	shalt  }
0x3e: {  	_ =	shalt  }
0x3f: {  	_ =	shalt  }
0x40: {  	_ =	shalt  }
0x41: {  	_ =	shalt  }
0x42: {  	_ =	shalt  }
0x43: {  	_ =	shalt  }
0x44: {  	_ =	shalt  }
0x45: {  	_ =	shalt  }
0x46: {  	_ =	shalt  }
0x47: {  	_ =	shalt  }
0x48: {  	_ =	shalt  }
0x49: {  	_ =	shalt  }
0x4a: {  	_ =	shalt  }
0x4b: {  	_ =	shalt  }
0x4c: {  	_ =	shalt  }
0x4d: {  	_ =	shalt  }
0x4e: {  	_ =	shalt  }
0x4f: {  	_ =	shalt  }
0x50: {  	_ =	shalt  }
0x51: {  	_ =	shalt  }
0x52: {  	_ =	shalt  }
0x53: {  	_ =	shalt  }
0x54: {  	_ =	shalt  }
0x55: {  	_ =	shalt  }
0x56: {  	_ =	shalt  }
0x57: {  	_ =	shalt  }
0x58: {  	_ =	shalt  }
0x59: {  	_ =	shalt  }
0x5a: {  	_ =	shalt  }
0x5b: {  	_ =	shalt  }
0x5c: {  	_ =	shalt  }
0x5d: {  	_ =	shalt  }
0x5e: {  	_ =	shalt  }
0x5f: {  	_ =	shalt  }
0x60: {  	_ =	shalt  }
0x61: {  	_ =	shalt  }
0x62: {  	_ =	shalt  }
0x63: {  	_ =	shalt  }
0x64: {  	_ =	shalt  }
0x65: {  	_ =	shalt  }
0x66: {  	_ =	shalt  }
0x67: {  	_ =	shalt  }
0x68: {  	_ =	shalt  }
0x69: {  	_ =	shalt  }
0x6a: {  	_ =	shalt  }
0x6b: {  	_ =	shalt  }
0x6c: {  	_ =	shalt  }
0x6d: {  	_ =	shalt  }
0x6e: {  	_ =	shalt  }
0x6f: {  	_ =	shalt  }
0x70: {  	_ =	shalt  }
0x71: {  	_ =	shalt  }
0x72: {  	_ =	shalt  }
0x73: {  	_ =	shalt  }
0x74: {  	_ =	shalt  }
0x75: {  	_ =	shalt  }
0x76: {  	_ =	shalt  }
0x77: {  	_ =	shalt  }
0x78: {  	_ =	shalt  }
0x79: {  	_ =	shalt  }
0x7a: {  	_ =	shalt  }
0x7b: {  	_ =	shalt  }
0x7c: {  	_ =	shalt  }
0x7d: {  	_ =	shalt  }
0x7e: {  	_ =	shalt  }
0x7f: {  	_ =	shalt  }
0x80: {  	_ =	shalt  }
0x81: {  	_ =	shalt  }
0x82: {  	_ =	shalt  }
0x83: {  	_ =	shalt  }
0x84: {  	_ =	shalt  }
0x85: {  	_ =	shalt  }
0x86: {  	_ =	shalt  }
0x87: {  	_ =	shalt  }
.Lfunc_end0:
.L_simem_size_0:
called_computation_lowered:
.L_overlay_start_0:
0x88: {  	s2 =	sld [smem:$0x3FD9]  }
0x89: {  	s3 =	sld [smem:$0x3FFE];
	_ =	sdelay $0x1  }
0x8a: {  	s1 =	srdreg.scid  }
0x8b: {  	s0 =	sand.u32 $0x1, s1  }
0x8c: {  	s17 =	sshll.u32 s0, $0xA;
	s2 =	sadd.s32 s3, s2  }
0x8d: {  	s2 =	sadd.s32 s2, s17  }
0x8e: {  	[smem:$0x3FC2] =	sst s2  }
0x8f: {  	_ = 	snop  }
0x90: {  	s2 =	sld [smem:$0x3FD0];
	(tm) =	ssettm $0x1  }
0x91: {  	s18 =	sld [smem:$0x3FFB];
	_ =	sdelay $0x3  }
0x92: {  	_ =	strace s18  }
0x93: {  	s3 =	sld [smem:$0x3FFC];
	_ =	sdelay $0x3  }
0x94: {  	_ =	strace s3  }
0x95: {  	s3 =	sld [smem:$0x3FFD];
	_ =	sdelay $0x3  }
0x96: {  	_ =	strace s3  }
0x97: {  	_ =	strace $0x8FFFFFFF  }
0x98: {  	s19 =	sld [smem:$0x3FDB];
	_ =	sdelay $0x1  }
0x99: {  	s4 =	simm.s32 $_scs_section_size  }
0x9a: {  	s5 =	simm.s32 $_size__tile_overlayer_lowered;
	s6 =	simm.s32 $_tile_overlayer_lowered  }
0x9b: {  	s22 =	simm.s32 $0x1BFF;
	s21 =	sshll.u32 s6, $0x1;
	s3 =	sadd.s32 s4, s19  }
0x9c: {  	s7 =	simm.s32 $0x0;
	s20 =	sshll.u32 s5, $0x1;
	s5 =	sadd.s32 s21, s3  }
0x9d: {  	[timem:s7], [sflag:s22] =	dma.local [hbm:s5], s20  }
0x9e: {  	_ =	swait.ge [sflag:s22], s20  }
0x9f: {  	s4 =	ssub.s32 $0x0, s20;
	[sflag:s22] =	ssyncset.done $0x0  }
0xa0: {  	[sflag:s22] =	ssyncadd.s32 s4;
	_ =	sdelay $0x1  }
0xa1: {  	s23 =	simm.s32 $0x1B8B  }
0xa2: {  	_ =	swait.ge [sflag:s23], $0x1  }
0xa3: {  	[sflag:s23] =	ssyncset.done $0x0  }
0xa4: {  	s25 =	simm.s32 $0x1B8E;
	s24 =	sld [smem:$0x3FFE];
	[sflag:s23] =	ssyncadd.s32 $0xFFFFFFFF  }
0xa5: {  	s26 =	simm.s32 $execute0_lowered;
	[smem:$0x3FD2] =	sst s25  }
0xa6: {  	s5 =	sshll.u32 s26, $0x1;
	_ =	strace $0x80000046;
	[dreg:$0x1] =	wrdreg $0xFFFFFFFF  }
0xa7: {  	s28 =	simm.s32 $_size_execute0_lowered;
	s3 =	sadd.s32 s3, s5;
	[dreg:$0x0] =	wrdreg $0x0  }
0xa8: {  	s5 =	sshll.u32 s28, $0x1;
	[dreg:$0x2] =	wrdreg s3  }
0xa9: {  	[dreg:$0x3] =	wrdreg s5  }
0xaa: {  	[dreg:$0x4] =	wrdreg $0xC0  }
0xab: {  	_ =	task [dreg:s7], $0x5FFFF  }
0xac: {  	[dreg:$0x1] =	wrdreg $0xFFFFFFFF  }
0xad: {  	[dreg:$0x0] =	wrdreg $0x60  }
0xae: {  	[dreg:$0x2] =	wrdreg s24  }
0xaf: {  	[dreg:$0x3] =	wrdreg s2  }
0xb0: {  	[dreg:$0x4] =	wrdreg $0x128000  }
0xb1: {  	[dreg:$0x5] =	wrdreg $0x88000  }
0xb2: {  	[dreg:$0x6] =	wrdreg $0x9  }
0xb3: {  	_ =	task.clear_ibuf [dreg:s7], $0x7FFFF;
	_ =	strace $0x90000046  }
0xb4: {  	s29 =	simm.s32 $0x9;
	_ =	strace $0x80000048  }
0xb5: {  	_ =	swait.ge [sflag:s29], $0x1  }
0xb6: {  	[sflag:s29] =	ssyncadd.s32 $0xFFFFFFFF  }
0xb7: {  	_ =	strace $0x90000048  }
0xb8: {  	_ =	sfence  }
0xb9: {  	s30 =	sld [smem:$0x0];
	_ =	sdelay $0x2  }
0xba: {  	s31 =	sshll.u32 s1, $0xD;
	s1 =	sshrl.u32 s1, $0x2  }
0xbb: {  	s3 =	sand.u32 $0x4000, s31;
	s1 =	sadd.s32 s1, s30  }
0xbc: {  	s0 =	sor.u32 s3, s0;
	s1 =	sshll.u32 s1, $0x11  }
0xbd: {  	s0 =	sor.u32 s1, s0  }
0xbe: {  	s0 =	sadd.s32 $0x8F2B, s0  }
0xbf: {  	[sflag:s0] =	ssyncadd.remote.s32 $0x1  }
0xc0: {  	_ =	sfence.sel $0xFFFF  }
0xc1: {  	[dreg:$0x0] =	wrdreg $0xFFFFFFFF;
	(pc) =	sbr.abs _section_cstart, $3  }
0xc2: {  	[dreg:$0x1] =	wrdreg $0xFFFFFFFF  }
0xc3: {  	_ =	task.clear_ibuf [dreg:s7], $0x2FFFF;
	_ =	strace $0x9FFFFFFF  }
0xc4: {  	(tm) =	ssettm $0x7FFFFFFF  }
0xc5: {  	_ =	shalt  }
tec
execute0_lowered:
.L_overlay_start_1:
0x0: {  	(tag) =	ssettag $0x1  }
0x1: {  	s0 =	rddreg [dreg:$0x0]  }
0x2: {  	s1 =	rddreg [dreg:$0x1]  }
0x3: {  	s2 =	rddreg [dreg:$0x2]  }
0x4: {  	s18 =	rddreg [dreg:$0x3]  }
0x5: {  	s5 =	srdreg.scid;
	s11 =	stileid.u32;
	s4 =	simm.s32 $0x0  }
0x6: {  	s29 =	simm.s32 $0x80;
	s28 =	simm.s32 $0x580;
	s6 =	smul.u32 $0xA000, s11  }
0x7: {  	s31 =	simm.s32 $0xE;
	s30 =	simm.s32 $0xC;
	s8 =	smul.u32 $0x28000, s11  }
0x8: {  	s5 =	sand.u32 $0x1, s5;
	[smem:$0x7FF] =	sst s4;
	s21 =	smul.u32 $0x1400, s11  }
0x9: {  	s9 =	sadd.s32 $0x28A00, s0;
	s11 =	simm.s32 $0xF;
	s7 =	smul.u32 $0xA0000, s5  }
0xa: {  	_ =	strace $0x80000047;
	s5 =	ssub.s32 $0x2, s5;
	s3 =	sshrl.u32 s6, $0x3  }
0xb: {  	s10 =	sshrl.u32 s5, $0x1;
	s8 =	sshrl.u32 s8, $0x2;
	s13 =	sadd.s32 s9, s3  }
0xc: {  	s20 =	sadd.s32 s6, s2;
	s14 =	sadd.s32 s1, s3;
	[dreg:$0x8] =	wrdreg s13  }
0xd: {  	s12 =	sadd.s32 s8, s2;
	s15 =	sor.u32 $0x10, s3;
	[dreg:$0x9] =	wrdreg s14  }
0xe: {  	s5 =	ssub.s32 s5, s10;
	s13 =	sadd.s32 s9, s15;
	[dreg:$0x6] =	wrdreg s12  }
0xf: {  	s16 =	sor.u32 $0x20, s3;
	s10 =	sadd.s32 s1, s15;
	[dreg:$0xa] =	wrdreg s13  }
0x10: {  	s8 =	sor.u32 $0x30, s3;
	s17 =	sadd.s32 s9, s16;
	[dreg:$0xb] =	wrdreg s10  }
0x11: {  	s7 =	sadd.s32 s6, s7;
	s19 =	sadd.s32 s9, s8;
	[dreg:$0xc] =	wrdreg s17  }
0x12: {  	s3 =	sadd.s32 s21, s1;
	s8 =	sadd.s32 s1, s8;
	[dreg:$0xe] =	wrdreg s19  }
0x13: {  	s7 =	sshrl.u32 s7, $0x3;
	s5 =	smax.u32 s5, $0x1;
	[dreg:$0xf] =	wrdreg s8  }
0x14: {  	s22 =	sadd.s32 $0x2000, s12;
	s23 =	sadd.s32 $0x4000, s12;
	[dreg:$0x11] =	wrdreg s5  }
0x15: {  	s24 =	sadd.s32 $0x6000, s12;
	s25 =	sadd.s32 $0x8000, s12;
	[dreg:$0x12] =	wrdreg s22  }
0x16: {  	s15 =	simm.s32 $0xC;
	s14 =	simm.s32 $0x6800;
	[dreg:$0x13] =	wrdreg s23  }
0x17: {  	s0 =	sadd.s32 s7, s0;
	s7 =	sadd.s32 s6, s18;
	[dreg:$0x14] =	wrdreg s24  }
0x18: {  	s10 =	sadd.s32 s1, s16;
	[dreg:$0x15] =	wrdreg s25;
	s22 =	sadd.s32 s21, s9  }
0x19: {  	s19 =	simm.s32 $0x800;
	s1 =	smov.u32 s3;
	s23 =	simm.s32 $0x100  }
0x1a: {  	s24 =	simm.s32 $0x500;
	s6 =	simm.s32 $0x4800;
	s13 =	simm.s32 $0x2  }
0x1b: {  	s17 =	simm.s32 $0x3;
	s25 =	simm.s32 $0x3;
	[dreg:$0xd] =	wrdreg s10  }
0x1c: {  	s5 =	simm.s32 $0xD;
	s26 =	sadd.s32 $0xA00, s0;
	[dreg:$0x5] =	wrdreg s1  }
0x1d: {  	s0 =	sadd.s32 $0x3CA00, s0;
	s10 =	simm.s32 $0xB;
	[dreg:$0x7] =	wrdreg s26  }
0x1e: {  	[dreg:$0x10] =	wrdreg s0;
	s26 =	sshrl.u32 s7, $0x3;
	s0 =	sshrl.u32 s20, $0x3  }
0x1f: {  	s20 =	simm.s32 $0x11;
	s7 =	simm.s32 $0x1;
	[dreg:$0x16] =	wrdreg s26  }
0x20: {  	v0 =	vimm.f32 $0.0e+00;
	[dreg:$0x17] =	wrdreg s0;
	s26 =	simm.s32 $0x180;
	s0 =	simm.s32 $0x0  }
.LBB2_1:
0x21: {  	[dreg:$0x18] =	wrdreg s0;
	s12 =	simm.s32 $0x100;
	s8 =	simm.s32 $0x0  }
.LBB2_2:
0x22: {  	p0 =	sne.s32 s12, $0x7F00;
	[tilespmem:s8+$0x830] =	vst v0;
	s16 =	smov.u32 s12;
	s12 =	sadd.s32 $0x100, s12  }
.Ltmp0:
0x23: {  	[tilespmem:s8+$0x820] =	vst v0;
	(pc) =	sbr.rel @p0 .LBB2_2-.Ltmp0, $3  }
0x24: {  	[tilespmem:s8+$0x800] =	vst v0  }
0x25: {  	[tilespmem:s8+$0x810] =	vst v0;
	_ =	sdelay $0x1  }
0x26: {  	s8 =	sshra.s32 s16, $0x2  }
0x27: {  	[tilespmem:s8+$0x830] =	vst v0  }
0x28: {  	[tilespmem:s8+$0x820] =	vst v0  }
0x29: {  	[tilespmem:s8+$0x800] =	vst v0  }
0x2a: {  	[tilespmem:s8+$0x810] =	vst v0;
	s3 =	rddreg [dreg:$0x6]  }
0x2b: {  	[spmem:s3] =	stream.linear.scatter [tilespmem:s19], [sflag:$0x11], $0x2000, $0x38;
	[tilespmem:$0x1C800] =	vst v63  }
0x2c: {  	_ =	swait.ge [sflag:s20], $0x2000  }
0x2d: {  	[sflag:s20] =	ssyncset.done $0x0  }
0x2e: {  	s9 =	rddreg [dreg:$0x12];
	[sflag:s20] =	ssyncadd.s32 $0xFFFFE000  }
0x2f: {  	[spmem:s9] =	stream.linear.scatter [tilespmem:s19], [sflag:$0x11], $0x2000, $0x38;
	[tilespmem:$0x1C800] =	vst v63  }
0x30: {  	_ =	swait.ge [sflag:s20], $0x2000  }
0x31: {  	[sflag:s20] =	ssyncset.done $0x0  }
0x32: {  	s12 =	rddreg [dreg:$0x13];
	[sflag:s20] =	ssyncadd.s32 $0xFFFFE000  }
0x33: {  	[spmem:s12] =	stream.linear.scatter [tilespmem:s19], [sflag:$0x11], $0x2000, $0x38;
	[tilespmem:$0x1C800] =	vst v63  }
0x34: {  	_ =	swait.ge [sflag:s20], $0x2000  }
0x35: {  	[sflag:s20] =	ssyncset.done $0x0  }
0x36: {  	s16 =	rddreg [dreg:$0x14];
	[sflag:s20] =	ssyncadd.s32 $0xFFFFE000  }
0x37: {  	[spmem:s16] =	stream.linear.scatter [tilespmem:s19], [sflag:$0x11], $0x2000, $0x38;
	[tilespmem:$0x1C800] =	vst v63  }
0x38: {  	s0 =	stileid.u32;
	_ =	swait.ge [sflag:s20], $0x2000  }
0x39: {  	s8 =	sshll.u32 s0, $0x6;
	[sflag:s20] =	ssyncset.done $0x0  }
0x3a: {  	s0 =	sor.u32 $0x1C11, s8;
	s21 =	rddreg [dreg:$0x15];
	[sflag:s20] =	ssyncadd.s32 $0xFFFFE000  }
0x3b: {  	[spmem:s21] =	stream.linear.scatter [tilespmem:s19], [sflag:$0x11], $0x2000, $0x38;
	[tilespmem:$0x1C800] =	vst v63  }
0x3c: {  	_ =	swait.ge [sflag:s20], $0x2000;
	[dreg:$0x19] =	wrdreg s0  }
0x3d: {  	[sflag:s20] =	ssyncset.done $0x0;
	s3 =	rddreg [dreg:$0x7]  }
0x3e: {  	s9 =	rddreg [dreg:$0x16];
	[sflag:s20] =	ssyncadd.s32 $0xFFFFE000  }
0x3f: {  	[spmem:s9], [sflag:s0] =	dma.local [hbm:s3], $0x1400  }
0x40: {  	_ =	swait.ge [sflag:s20], $0x1400  }
0x41: {  	[sflag:s20] =	ssyncset.done $0x0  }
0x42: {  	[sflag:s20] =	ssyncadd.s32 $0xFFFFEC00  }
0x43: {  	[bflag:$0x0] =	sbarrier.arrive $0xFFFF  }
0x44: {  	s8 =	simm.s32 $0x0;
	s12 =	rddreg [dreg:$0x8]  }
0x45: {  	[tilespmem:s8], [sflag:$0x9] =	stream.linear.gather [hbm4b:s12+s8], $0x80, $0x38;
	[tilespmem:$0x1C800] =	vst v63  }
0x46: {  	s16 =	rddreg [dreg:$0x9];
	s12 =	simm.s32 $0x400  }
0x47: {  	[tilespmem:s12], [sflag:$0x9] =	stream.linear.gather [hbm4b:s16+s8], $0x80, $0x38;
	[tilespmem:$0x1C800] =	vst v63  }
0x48: {  	s20 =	rddreg [dreg:$0xa]  }
0x49: {  	[tilespmem:s29], [sflag:$0xA] =	stream.linear.gather [hbm4b:s20+s8], $0x80, $0x38;
	[tilespmem:$0x1C800] =	vst v63  }
0x4a: {  	s21 =	rddreg [dreg:$0xb];
	s16 =	simm.s32 $0x480  }
0x4b: {  	[tilespmem:s16], [sflag:$0xA] =	stream.linear.gather [hbm4b:s21+s8], $0x80, $0x38;
	[tilespmem:$0x1C800] =	vst v63  }
0x4c: {  	s0 =	rddreg [dreg:$0xc]  }
0x4d: {  	[tilespmem:s23], [sflag:$0xB] =	stream.linear.gather [hbm4b:s0+s8], $0x80, $0x38;
	[tilespmem:$0x1C800] =	vst v63  }
0x4e: {  	s3 =	rddreg [dreg:$0xd]  }
0x4f: {  	[tilespmem:s24], [sflag:$0xB] =	stream.linear.gather [hbm4b:s3+s8], $0x80, $0x38;
	[tilespmem:$0x1C800] =	vst v63  }
0x50: {  	s20 =	rddreg [dreg:$0xe]  }
0x51: {  	[tilespmem:s26], [sflag:$0xC] =	stream.linear.gather [hbm4b:s20+s8], $0x80, $0x38;
	[tilespmem:$0x1C800] =	vst v63  }
0x52: {  	s21 =	rddreg [dreg:$0xf];
	s0 =	simm.s32 $0x9  }
0x53: {  	[tilespmem:s28], [sflag:$0xC] =	stream.linear.gather [hbm4b:s21+s8], $0x80, $0x38;
	[tilespmem:$0x1C800] =	vst v63  }
0x54: {  	_ =	swait.ge [sflag:s0], $0x80  }
0x55: {  	[sflag:s0] =	ssyncset.done $0x0  }
0x56: {  	[sflag:s0] =	ssyncadd.s32 $0xFFFFFF80  }
0x57: {  	_ =	swait.ge [sflag:s0], $0x80  }
0x58: {  	[sflag:s0] =	ssyncset.done $0x0  }
0x59: {  	s3 =	simm.s32 $0xA;
	[sflag:s0] =	ssyncadd.s32 $0xFFFFFF80  }
0x5a: {  	[tilespmem:s19], [sflag:$0x1] =	stream.indirect.gather [spmem:s18], $0x40, s12, s29, $0xb8;
	[tilespmem:$0x1C800] =	vst v63  }
0x5b: {  	_ =	swait.ge [sflag:s3], $0x80  }
0x5c: {  	[sflag:s3] =	ssyncset.done $0x0  }
0x5d: {  	[sflag:s3] =	ssyncadd.s32 $0xFFFFFF80  }
0x5e: {  	_ =	swait.ge [sflag:s3], $0x80  }
0x5f: {  	[sflag:s3] =	ssyncset.done $0x0  }
0x60: {  	s21 =	smov.u32 s18;
	s18 =	simm.s32 $0x2800;
	[sflag:s3] =	ssyncadd.s32 $0xFFFFFF80  }
0x61: {  	[tilespmem:s18], [sflag:$0x2] =	stream.indirect.gather [spmem:s21], $0x40, s16, s29, $0xb8;
	[tilespmem:$0x1C800] =	vst v63  }
0x62: {  	_ =	swait.ge [sflag:s7], $0x2000  }
0x63: {  	p0 =	por $0x1, $0x1;
	[sflag:s7] =	ssyncset.done $0x0  }
0x64: {  	s8 =	simm.s32 @!p0 $0x7;
	[sflag:s7] =	ssyncadd.s32 $0xFFFFE000  }
0x65: {  	[spmem:s2] =	stream.indirect.scatter.add.f32 [tilespmem:s19], [sflag:$0x5], $0x40, s4, s29, $0xb8;
	[tilespmem:$0x1C800] =	vst v63  }
0x66: {  	_ =	swait.ge @!p0 [sflag:s8], $0x2000  }
0x67: {  	s20 =	sadd.s32 $0x0, s1;
	s12 =	sadd.s32 $0x0, s22;
	[sflag:s8] =	ssyncset.done @!p0 $0x0  }
0x68: {  	s9 =	sadd.s32 $0x40, s12;
	s7 =	simm.s32 $0x200;
	[sflag:s8] =	ssyncadd.s32 @!p0 $0xFFFFE000  }
0x69: {  	[tilespmem:s7], [sflag:$0xD] =	stream.linear.gather [hbm4b:s9+s4], $0x80, $0x38;
	[tilespmem:$0x1C800] =	vst v63  }
0x6a: {  	s16 =	sadd.s32 $0x40, s20;
	s9 =	simm.s32 $0x600  }
0x6b: {  	[tilespmem:s9], [sflag:$0xD] =	stream.linear.gather [hbm4b:s16+s4], $0x80, $0x38;
	[tilespmem:$0x1C800] =	vst v63  }
0x6c: {  	_ =	swait.ge [sflag:s10], $0x80  }
0x6d: {  	[sflag:s10] =	ssyncset.done $0x0  }
0x6e: {  	[sflag:s10] =	ssyncadd.s32 $0xFFFFFF80  }
0x6f: {  	_ =	swait.ge [sflag:s10], $0x80  }
0x70: {  	[sflag:s10] =	ssyncset.done $0x0  }
0x71: {  	[sflag:s10] =	ssyncadd.s32 $0xFFFFFF80  }
0x72: {  	[tilespmem:s6], [sflag:$0x3] =	stream.indirect.gather [spmem:s21], $0x40, s24, s29, $0xb8;
	[tilespmem:$0x1C800] =	vst v63  }
0x73: {  	_ =	swait.ge [sflag:s13], $0x2000  }
0x74: {  	[sflag:s13] =	ssyncset.done $0x0  }
0x75: {  	s8 =	simm.s32 @!p0 $0x8;
	[sflag:s13] =	ssyncadd.s32 $0xFFFFE000  }
0x76: {  	[spmem:s2] =	stream.indirect.scatter.add.f32 [tilespmem:s18], [sflag:$0x6], $0x40, s29, s29, $0xb8;
	[tilespmem:$0x1C800] =	vst v63  }
0x77: {  	_ =	swait.ge @!p0 [sflag:s8], $0x2000  }
0x78: {  	[sflag:s8] =	ssyncset.done @!p0 $0x0  }
0x79: {  	s1 =	sadd.s32 $0x50, s12;
	s3 =	simm.s32 $0x280;
	[sflag:s8] =	ssyncadd.s32 @!p0 $0xFFFFE000  }
0x7a: {  	[tilespmem:s3], [sflag:$0xE] =	stream.linear.gather [hbm4b:s1+s4], $0x80, $0x38;
	[tilespmem:$0x1C800] =	vst v63  }
0x7b: {  	s16 =	simm.s32 $0x680;
	s3 =	sadd.s32 $0x50, s20  }
0x7c: {  	[tilespmem:s16], [sflag:$0xE] =	stream.linear.gather [hbm4b:s3+s4], $0x80, $0x38;
	[tilespmem:$0x1C800] =	vst v63  }
0x7d: {  	_ =	swait.ge [sflag:s15], $0x80  }
0x7e: {  	[sflag:s15] =	ssyncset.done $0x0  }
0x7f: {  	[sflag:s15] =	ssyncadd.s32 $0xFFFFFF80  }
0x80: {  	_ =	swait.ge [sflag:s15], $0x80  }
0x81: {  	[sflag:s15] =	ssyncset.done $0x0  }
0x82: {  	[sflag:s15] =	ssyncadd.s32 $0xFFFFFF80  }
0x83: {  	[tilespmem:s14], [sflag:$0x4] =	stream.indirect.gather [spmem:s21], $0x40, s28, s29, $0xb8;
	[tilespmem:$0x1C800] =	vst v63  }
0x84: {  	_ =	swait.ge [sflag:s17], $0x2000  }
0x85: {  	[sflag:s17] =	ssyncset.done $0x0  }
0x86: {  	s10 =	simm.s32 $0x5;
	[sflag:s17] =	ssyncadd.s32 $0xFFFFE000  }
0x87: {  	[spmem:s2] =	stream.indirect.scatter.add.f32 [tilespmem:s6], [sflag:$0x7], $0x40, s23, s29, $0xb8;
	[tilespmem:$0x1C800] =	vst v63  }
0x88: {  	_ =	swait.ge [sflag:s10], $0x2000  }
0x89: {  	[sflag:s10] =	ssyncset.done $0x0  }
0x8a: {  	s13 =	sadd.s32 $0x60, s12;
	s6 =	simm.s32 $0x300;
	[sflag:s10] =	ssyncadd.s32 $0xFFFFE000  }
0x8b: {  	[tilespmem:s6], [sflag:$0xF] =	stream.linear.gather [hbm4b:s13+s4], $0x80, $0x38;
	[tilespmem:$0x1C800] =	vst v63  }
0x8c: {  	s15 =	sadd.s32 $0x60, s20;
	s10 =	simm.s32 $0x700  }
0x8d: {  	[tilespmem:s10], [sflag:$0xF] =	stream.linear.gather [hbm4b:s15+s4], $0x80, $0x38;
	[tilespmem:$0x1C800] =	vst v63  }
0x8e: {  	_ =	swait.ge [sflag:s5], $0x80  }
0x8f: {  	[sflag:s5] =	ssyncset.done $0x0  }
0x90: {  	[sflag:s5] =	ssyncadd.s32 $0xFFFFFF80  }
0x91: {  	_ =	swait.ge [sflag:s5], $0x80  }
0x92: {  	[sflag:s5] =	ssyncset.done $0x0  }
0x93: {  	s23 =	simm.s32 $0x4;
	[sflag:s5] =	ssyncadd.s32 $0xFFFFFF80  }
0x94: {  	[tilespmem:s19], [sflag:$0x1] =	stream.indirect.gather [spmem:s21], $0x40, s9, s29, $0xb8;
	[tilespmem:$0x1C800] =	vst v63  }
0x95: {  	_ =	swait.ge [sflag:s23], $0x2000  }
0x96: {  	[sflag:s23] =	ssyncset.done $0x0  }
0x97: {  	s24 =	simm.s32 $0x6;
	[sflag:s23] =	ssyncadd.s32 $0xFFFFE000  }
0x98: {  	[spmem:s2] =	stream.indirect.scatter.add.f32 [tilespmem:s14], [sflag:$0x8], $0x40, s26, s29, $0xb8;
	[tilespmem:$0x1C800] =	vst v63  }
0x99: {  	_ =	swait.ge [sflag:s24], $0x2000  }
0x9a: {  	s3 =	smov.u32 s2;
	[sflag:s24] =	ssyncset.done $0x0  }
0x9b: {  	s26 =	sadd.s32 $0x70, s12;
	s2 =	simm.s32 $0x380;
	[sflag:s24] =	ssyncadd.s32 $0xFFFFE000  }
0x9c: {  	[tilespmem:s2], [sflag:$0x10] =	stream.linear.gather [hbm4b:s26+s4], $0x80, $0x38;
	[tilespmem:$0x1C800] =	vst v63  }
0x9d: {  	s12 =	sadd.s32 $0x70, s20;
	s14 =	simm.s32 $0x780  }
0x9e: {  	[tilespmem:s14], [sflag:$0x10] =	stream.linear.gather [hbm4b:s12+s4], $0x80, $0x38;
	[tilespmem:$0x1C800] =	vst v63  }
0x9f: {  	_ =	swait.ge [sflag:s31], $0x80  }
0xa0: {  	[sflag:s31] =	ssyncset.done $0x0  }
0xa1: {  	[sflag:s31] =	ssyncadd.s32 $0xFFFFFF80  }
0xa2: {  	_ =	swait.ge [sflag:s31], $0x80  }
0xa3: {  	[sflag:s31] =	ssyncset.done $0x0  }
0xa4: {  	s0 =	simm.s32 $0x1;
	[sflag:s31] =	ssyncadd.s32 $0xFFFFFF80  }
0xa5: {  	[tilespmem:s18], [sflag:$0x2] =	stream.indirect.gather [spmem:s21], $0x40, s16, s29, $0xb8;
	[tilespmem:$0x1C800] =	vst v63  }
0xa6: {  	_ =	swait.ge [sflag:s0], $0x2000  }
0xa7: {  	[sflag:s0] =	ssyncset.done $0x0  }
0xa8: {  	p0 =	por $0x0, $0x0;
	s15 =	simm.s32 $0x7;
	[sflag:s0] =	ssyncadd.s32 $0xFFFFE000  }
0xa9: {  	[spmem:s3] =	stream.indirect.scatter.add.f32 [tilespmem:s19], [sflag:$0x5], $0x40, s7, s29, $0xb8;
	[tilespmem:$0x1C800] =	vst v63  }
0xaa: {  	s8 =	sadd.s32 @!p0 $0x0, s22;
	_ =	swait.ge [sflag:s15], $0x2000  }
0xab: {  	s20 =	simm.s32 @!p0 $0x0;
	s9 =	rddreg [dreg:$0x5];
	[sflag:s15] =	ssyncset.done $0x0  }
0xac: {  	s16 =	sadd.s32 @!p0 $0x80, s8;
	s12 =	sadd.s32 @!p0 $0x0, s9;
	[sflag:s15] =	ssyncadd.s32 $0xFFFFE000  }
0xad: {  	[tilespmem:s20], [sflag:$0x9] =	stream.linear.gather @!p0 [hbm4b:s16+s20], $0x80, $0x38;
	[tilespmem:$0x1C800] =	vst v63  }
0xae: {  	s24 =	simm.s32 @!p0 $0x400;
	s16 =	sadd.s32 @!p0 $0x80, s12  }
0xaf: {  	[tilespmem:s24], [sflag:$0x9] =	stream.linear.gather @!p0 [hbm4b:s16+s20], $0x80, $0x38;
	[tilespmem:$0x1C800] =	vst v63  }
0xb0: {  	_ =	swait.ge [sflag:s11], $0x80  }
0xb1: {  	[sflag:s11] =	ssyncset.done $0x0  }
0xb2: {  	[sflag:s11] =	ssyncadd.s32 $0xFFFFFF80  }
0xb3: {  	_ =	swait.ge [sflag:s11], $0x80  }
0xb4: {  	[sflag:s11] =	ssyncset.done $0x0  }
0xb5: {  	s1 =	simm.s32 $0x4800;
	s17 =	simm.s32 $0x2;
	[sflag:s11] =	ssyncadd.s32 $0xFFFFFF80  }
0xb6: {  	[tilespmem:s1], [sflag:$0x3] =	stream.indirect.gather [spmem:s21], $0x40, s10, s29, $0xb8;
	[tilespmem:$0x1C800] =	vst v63  }
0xb7: {  	_ =	swait.ge [sflag:s17], $0x2000  }
0xb8: {  	[sflag:s17] =	ssyncset.done $0x0  }
0xb9: {  	s23 =	simm.s32 $0x280;
	s26 =	simm.s32 $0x8;
	[sflag:s17] =	ssyncadd.s32 $0xFFFFE000  }
0xba: {  	[spmem:s3] =	stream.indirect.scatter.add.f32 [tilespmem:s18], [sflag:$0x6], $0x40, s23, s29, $0xb8;
	[tilespmem:$0x1C800] =	vst v63  }
0xbb: {  	_ =	swait.ge [sflag:s26], $0x2000  }
0xbc: {  	[sflag:s26] =	ssyncset.done $0x0  }
0xbd: {  	s8 =	sadd.s32 @!p0 $0x90, s8;
	s16 =	simm.s32 @!p0 $0x80;
	[sflag:s26] =	ssyncadd.s32 $0xFFFFE000  }
0xbe: {  	[tilespmem:s16], [sflag:$0xA] =	stream.linear.gather @!p0 [hbm4b:s8+s20], $0x80, $0x38;
	[tilespmem:$0x1C800] =	vst v63  }
0xbf: {  	s31 =	simm.s32 $0x10;
	s8 =	sadd.s32 @!p0 $0x90, s12;
	s12 =	simm.s32 @!p0 $0x480  }
0xc0: {  	[tilespmem:s12], [sflag:$0xA] =	stream.linear.gather @!p0 [hbm4b:s8+s20], $0x80, $0x38;
	[tilespmem:$0x1C800] =	vst v63  }
0xc1: {  	_ =	swait.ge [sflag:s31], $0x80  }
0xc2: {  	[sflag:s31] =	ssyncset.done $0x0  }
0xc3: {  	[sflag:s31] =	ssyncadd.s32 $0xFFFFFF80  }
0xc4: {  	_ =	swait.ge [sflag:s31], $0x80  }
0xc5: {  	[sflag:s31] =	ssyncset.done $0x0  }
0xc6: {  	s13 =	simm.s32 $0x6800;
	[sflag:s31] =	ssyncadd.s32 $0xFFFFFF80  }
0xc7: {  	[tilespmem:s13], [sflag:$0x4] =	stream.indirect.gather [spmem:s21], $0x40, s14, s29, $0xb8;
	[tilespmem:$0x1C800] =	vst v63  }
0xc8: {  	p0 =	por $0x0, $0x0;
	_ =	swait.ge [sflag:s25], $0x2000  }
0xc9: {  	p1 =	por @!p0 $0x0, $0x0;
	[sflag:s25] =	ssyncset.done $0x0  }
0xca: {  	s8 =	simm.s32 @!p0 $0x5;
	p1 =	por p1, p0;
	[sflag:s25] =	ssyncadd.s32 $0xFFFFE000  }
0xcb: {  	[spmem:s3] =	stream.indirect.scatter.add.f32 [tilespmem:s1], [sflag:$0x7], $0x40, s6, s29, $0xb8;
	[tilespmem:$0x1C800] =	vst v63  }
0xcc: {  	s12 =	sadd.s32 @!p1 $0x0, s22;
	s1 =	rddreg [dreg:$0x5];
	_ =	swait.ge @!p0 [sflag:s8], $0x2000  }
0xcd: {  	s16 =	simm.s32 @!p1 $0x0;
	s12 =	sadd.s32 @!p1 $0xA0, s12;
	[sflag:s8] =	ssyncset.done @!p0 $0x0  }
0xce: {  	s20 =	sadd.s32 @!p1 $0x0, s1;
	[sflag:s8] =	ssyncadd.s32 @!p0 $0xFFFFE000;
	s8 =	simm.s32 @!p1 $0x100  }
0xcf: {  	[tilespmem:s8], [sflag:$0xB] =	stream.linear.gather @!p1 [hbm4b:s12+s16], $0x80, $0x38;
	[tilespmem:$0x1C800] =	vst v63  }
0xd0: {  	s8 =	sadd.s32 @!p1 $0xA0, s20;
	s12 =	simm.s32 @!p1 $0x500;
	s20 =	simm.s32 @!p0 $0x9  }
0xd1: {  	[tilespmem:s12], [sflag:$0xB] =	stream.linear.gather @!p1 [hbm4b:s8+s16], $0x80, $0x38;
	[tilespmem:$0x1C800] =	vst v63  }
0xd2: {  	_ =	swait.ge @!p0 [sflag:s20], $0x80  }
0xd3: {  	[sflag:s20] =	ssyncset.done @!p0 $0x0  }
0xd4: {  	[sflag:s20] =	ssyncadd.s32 @!p0 $0xFFFFFF80  }
0xd5: {  	_ =	swait.ge @!p0 [sflag:s20], $0x80  }
0xd6: {  	s24 =	simm.s32 $0x4;
	s8 =	simm.s32 @!p0 $0x800;
	[sflag:s20] =	ssyncset.done @!p0 $0x0  }
0xd7: {  	s12 =	simm.s32 @!p0 $0x80;
	s16 =	simm.s32 @!p0 $0x400;
	[sflag:s20] =	ssyncadd.s32 @!p0 $0xFFFFFF80  }
0xd8: {  	[tilespmem:s8], [sflag:$0x1] =	stream.indirect.gather @!p0 [spmem:s21], $0x40, s16, s12, $0xb8;
	[tilespmem:$0x1C800] =	vst v63  }
0xd9: {  	p1 =	por $0x0, $0x0;
	_ =	swait.ge [sflag:s24], $0x2000  }
0xda: {  	p0 =	por @!p1 $0x0, $0x0;
	[sflag:s24] =	ssyncset.done $0x0  }
0xdb: {  	s8 =	simm.s32 @!p1 $0x6;
	p0 =	por p0, p1;
	[sflag:s24] =	ssyncadd.s32 $0xFFFFE000  }
0xdc: {  	[spmem:s3] =	stream.indirect.scatter.add.f32 [tilespmem:s13], [sflag:$0x8], $0x40, s2, s29, $0xb8;
	[tilespmem:$0x1C800] =	vst v63  }
0xdd: {  	s12 =	sadd.s32 @!p0 $0x0, s22;
	_ =	swait.ge @!p1 [sflag:s8], $0x2000  }
0xde: {  	s16 =	simm.s32 @!p0 $0x0;
	s20 =	simm.s32 @!p0 $0x180;
	[sflag:s8] =	ssyncset.done @!p1 $0x0  }
0xdf: {  	[sflag:s8] =	ssyncadd.s32 @!p1 $0xFFFFE000;
	s8 =	sadd.s32 @!p0 $0xB0, s12;
	s12 =	sadd.s32 @!p0 $0x0, s1  }
0xe0: {  	[tilespmem:s20], [sflag:$0xC] =	stream.linear.gather @!p0 [hbm4b:s8+s16], $0x80, $0x38;
	[tilespmem:$0x1C800] =	vst v63  }
0xe1: {  	s12 =	sadd.s32 @!p0 $0xB0, s12;
	s20 =	simm.s32 @!p0 $0x580;
	s8 =	simm.s32 @!p1 $0xA  }
0xe2: {  	[tilespmem:s20], [sflag:$0xC] =	stream.linear.gather @!p0 [hbm4b:s12+s16], $0x80, $0x38;
	[tilespmem:$0x1C800] =	vst v63  }
0xe3: {  	s28 =	simm.s32 $0xF;
	s7 =	simm.s32 $0x1;
	_ =	swait.ge @!p1 [sflag:s8], $0x80  }
0xe4: {  	s18 =	smov.u32 s21;
	s2 =	smov.u32 s3;
	[sflag:s8] =	ssyncset.done @!p1 $0x0  }
0xe5: {  	s12 =	simm.s32 $0x80;
	s16 =	simm.s32 $0x1;
	[sflag:s8] =	ssyncadd.s32 @!p1 $0xFFFFFF80  }
.LBB2_4:
0xe6: {  	_ =	swait.ge @!p1 [sflag:s8], $0x80  }
0xe7: {  	s24 =	simm.s32 @!p1 $0x2800;
	[sflag:s8] =	ssyncset.done @!p1 $0x0  }
0xe8: {  	s26 =	simm.s32 @!p1 $0x80;
	s23 =	simm.s32 @!p1 $0x480;
	[sflag:s8] =	ssyncadd.s32 @!p1 $0xFFFFFF80  }
0xe9: {  	[tilespmem:s24], [sflag:$0x2] =	stream.indirect.gather @!p1 [spmem:s18], $0x40, s23, s26, $0xb8;
	[tilespmem:$0x1C800] =	vst v63  }
0xea: {  	s20 =	smov.u32 s12;
	_ =	swait.ge [sflag:s7], $0x2000  }
0xeb: {  	p1 =	seq.s32 s20, $0x0;
	[sflag:s7] =	ssyncset.done $0x0  }
0xec: {  	s23 =	simm.s32 @!p1 $0x7;
	[sflag:s7] =	ssyncadd.s32 $0xFFFFE000  }
0xed: {  	[spmem:s2] =	stream.indirect.scatter.add.f32 [tilespmem:s19], [sflag:$0x5], $0x40, s4, s29, $0xb8;
	[tilespmem:$0x1C800] =	vst v63  }
0xee: {  	_ =	swait.ge @!p1 [sflag:s23], $0x2000  }
0xef: {  	s14 =	simm.s32 $0x200;
	s24 =	sadd.s32 s20, s22;
	[sflag:s23] =	ssyncset.done @!p1 $0x0  }
0xf0: {  	s8 =	sadd.s32 s20, s1;
	s9 =	sadd.s32 $0x40, s24;
	[sflag:s23] =	ssyncadd.s32 @!p1 $0xFFFFE000  }
0xf1: {  	[tilespmem:s14], [sflag:$0xD] =	stream.linear.gather [hbm4b:s9+s4], $0x80, $0x38;
	[tilespmem:$0x1C800] =	vst v63  }
0xf2: {  	s0 =	simm.s32 $0xB;
	s10 =	sadd.s32 $0x40, s8;
	s7 =	simm.s32 $0x600  }
0xf3: {  	[tilespmem:s7], [sflag:$0xD] =	stream.linear.gather [hbm4b:s10+s4], $0x80, $0x38;
	[tilespmem:$0x1C800] =	vst v63  }
0xf4: {  	_ =	swait.ge [sflag:s0], $0x80  }
0xf5: {  	[sflag:s0] =	ssyncset.done $0x0  }
0xf6: {  	[sflag:s0] =	ssyncadd.s32 $0xFFFFFF80  }
0xf7: {  	_ =	swait.ge [sflag:s0], $0x80  }
0xf8: {  	[sflag:s0] =	ssyncset.done $0x0  }
0xf9: {  	s13 =	simm.s32 $0x500;
	s1 =	simm.s32 $0x4800;
	[sflag:s0] =	ssyncadd.s32 $0xFFFFFF80  }
0xfa: {  	[tilespmem:s1], [sflag:$0x3] =	stream.indirect.gather [spmem:s18], $0x40, s13, s29, $0xb8;
	[tilespmem:$0x1C800] =	vst v63  }
0xfb: {  	_ =	swait.ge [sflag:s17], $0x2000  }
0xfc: {  	[sflag:s17] =	ssyncset.done $0x0  }
0xfd: {  	s23 =	simm.s32 @!p1 $0x8;
	s0 =	simm.s32 $0x2800;
	[sflag:s17] =	ssyncadd.s32 $0xFFFFE000  }
0xfe: {  	[spmem:s2] =	stream.indirect.scatter.add.f32 [tilespmem:s0], [sflag:$0x6], $0x40, s29, s29, $0xb8;
	[tilespmem:$0x1C800] =	vst v63  }
0xff: {  	_ =	swait.ge @!p1 [sflag:s23], $0x2000  }
0x100: {  	[sflag:s23] =	ssyncset.done @!p1 $0x0  }
0x101: {  	s15 =	sadd.s32 $0x50, s24;
	s18 =	simm.s32 $0x280;
	[sflag:s23] =	ssyncadd.s32 @!p1 $0xFFFFE000  }
0x102: {  	[tilespmem:s18], [sflag:$0xE] =	stream.linear.gather [hbm4b:s15+s4], $0x80, $0x38;
	[tilespmem:$0x1C800] =	vst v63  }
0x103: {  	s26 =	simm.s32 $0x680;
	s9 =	sadd.s32 $0x50, s8  }
0x104: {  	[tilespmem:s26], [sflag:$0xE] =	stream.linear.gather [hbm4b:s9+s4], $0x80, $0x38;
	[tilespmem:$0x1C800] =	vst v63  }
0x105: {  	_ =	swait.ge [sflag:s30], $0x80  }
0x106: {  	[sflag:s30] =	ssyncset.done $0x0  }
0x107: {  	[sflag:s30] =	ssyncadd.s32 $0xFFFFFF80  }
0x108: {  	_ =	swait.ge [sflag:s30], $0x80  }
0x109: {  	[sflag:s30] =	ssyncset.done $0x0  }
0x10a: {  	s6 =	simm.s32 $0x580;
	s13 =	simm.s32 $0x6800;
	[sflag:s30] =	ssyncadd.s32 $0xFFFFFF80  }
0x10b: {  	[tilespmem:s13], [sflag:$0x4] =	stream.indirect.gather [spmem:s21], $0x40, s6, s29, $0xb8;
	[tilespmem:$0x1C800] =	vst v63  }
0x10c: {  	_ =	swait.ge [sflag:s25], $0x2000  }
0x10d: {  	[sflag:s25] =	ssyncset.done $0x0  }
0x10e: {  	s23 =	simm.s32 $0x100;
	s9 =	simm.s32 $0x5;
	[sflag:s25] =	ssyncadd.s32 $0xFFFFE000  }
0x10f: {  	[spmem:s2] =	stream.indirect.scatter.add.f32 [tilespmem:s1], [sflag:$0x7], $0x40, s23, s29, $0xb8;
	[tilespmem:$0x1C800] =	vst v63  }
0x110: {  	_ =	swait.ge [sflag:s9], $0x2000  }
0x111: {  	[sflag:s9] =	ssyncset.done $0x0  }
0x112: {  	s10 =	sadd.s32 $0x60, s24;
	s6 =	simm.s32 $0x300;
	[sflag:s9] =	ssyncadd.s32 $0xFFFFE000  }
0x113: {  	[tilespmem:s6], [sflag:$0xF] =	stream.linear.gather [hbm4b:s10+s4], $0x80, $0x38;
	[tilespmem:$0x1C800] =	vst v63  }
0x114: {  	s15 =	sadd.s32 $0x60, s8;
	s10 =	simm.s32 $0x700  }
0x115: {  	[tilespmem:s10], [sflag:$0xF] =	stream.linear.gather [hbm4b:s15+s4], $0x80, $0x38;
	[tilespmem:$0x1C800] =	vst v63  }
0x116: {  	_ =	swait.ge [sflag:s5], $0x80  }
0x117: {  	[sflag:s5] =	ssyncset.done $0x0  }
0x118: {  	[sflag:s5] =	ssyncadd.s32 $0xFFFFFF80  }
0x119: {  	_ =	swait.ge [sflag:s5], $0x80  }
0x11a: {  	[sflag:s5] =	ssyncset.done $0x0  }
0x11b: {  	s31 =	simm.s32 $0x4;
	[sflag:s5] =	ssyncadd.s32 $0xFFFFFF80  }
0x11c: {  	[tilespmem:s19], [sflag:$0x1] =	stream.indirect.gather [spmem:s21], $0x40, s7, s29, $0xb8;
	[tilespmem:$0x1C800] =	vst v63  }
0x11d: {  	_ =	swait.ge [sflag:s31], $0x2000  }
0x11e: {  	[sflag:s31] =	ssyncset.done $0x0  }
0x11f: {  	s23 =	simm.s32 $0x6;
	s15 =	simm.s32 $0x180;
	[sflag:s31] =	ssyncadd.s32 $0xFFFFE000  }
0x120: {  	[spmem:s2] =	stream.indirect.scatter.add.f32 [tilespmem:s13], [sflag:$0x8], $0x40, s15, s29, $0xb8;
	[tilespmem:$0x1C800] =	vst v63  }
0x121: {  	_ =	swait.ge [sflag:s23], $0x2000  }
0x122: {  	[sflag:s23] =	ssyncset.done $0x0  }
0x123: {  	s24 =	sadd.s32 $0x70, s24;
	s2 =	simm.s32 $0x380;
	[sflag:s23] =	ssyncadd.s32 $0xFFFFE000  }
0x124: {  	[tilespmem:s2], [sflag:$0x10] =	stream.linear.gather [hbm4b:s24+s4], $0x80, $0x38;
	[tilespmem:$0x1C800] =	vst v63  }
0x125: {  	s8 =	sadd.s32 $0x70, s8;
	s31 =	simm.s32 $0xE;
	s15 =	simm.s32 $0x780  }
0x126: {  	[tilespmem:s15], [sflag:$0x10] =	stream.linear.gather [hbm4b:s8+s4], $0x80, $0x38;
	[tilespmem:$0x1C800] =	vst v63  }
0x127: {  	_ =	swait.ge [sflag:s31], $0x80  }
0x128: {  	[sflag:s31] =	ssyncset.done $0x0  }
0x129: {  	[sflag:s31] =	ssyncadd.s32 $0xFFFFFF80  }
0x12a: {  	_ =	swait.ge [sflag:s31], $0x80  }
0x12b: {  	[sflag:s31] =	ssyncset.done $0x0  }
0x12c: {  	s7 =	simm.s32 $0x1;
	[sflag:s31] =	ssyncadd.s32 $0xFFFFFF80  }
0x12d: {  	[tilespmem:s0], [sflag:$0x2] =	stream.indirect.gather [spmem:s21], $0x40, s26, s29, $0xb8;
	[tilespmem:$0x1C800] =	vst v63  }
0x12e: {  	_ =	swait.ge [sflag:s7], $0x2000  }
0x12f: {  	[sflag:s7] =	ssyncset.done $0x0  }
0x130: {  	[sflag:s7] =	ssyncadd.s32 $0xFFFFE000  }
0x131: {  	[spmem:s3] =	stream.indirect.scatter.add.f32 [tilespmem:s19], [sflag:$0x5], $0x40, s14, s29, $0xb8;
	[tilespmem:$0x1C800] =	vst v63  }
0x132: {  	s14 =	simm.s32 $0x7  }
0x133: {  	p1 =	sgt.u32 s16, $0x26;
	s9 =	rddreg [dreg:$0x5];
	_ =	swait.ge [sflag:s14], $0x2000  }
0x134: {  	s24 =	simm.s32 @!p1 $0x0;
	s8 =	sadd.s32 @!p1 s20, s22;
	[sflag:s14] =	ssyncset.done $0x0  }
0x135: {  	s23 =	sadd.s32 @!p1 $0x80, s8;
	s9 =	sadd.s32 @!p1 s20, s9;
	[sflag:s14] =	ssyncadd.s32 $0xFFFFE000  }
0x136: {  	[tilespmem:s24], [sflag:$0x9] =	stream.linear.gather @!p1 [hbm4b:s23+s24], $0x80, $0x38;
	[tilespmem:$0x1C800] =	vst v63  }
0x137: {  	s26 =	sadd.s32 @!p1 $0x80, s9;
	s19 =	simm.s32 @!p1 $0x400  }
0x138: {  	[tilespmem:s19], [sflag:$0x9] =	stream.linear.gather @!p1 [hbm4b:s26+s24], $0x80, $0x38;
	[tilespmem:$0x1C800] =	vst v63  }
0x139: {  	_ =	swait.ge [sflag:s11], $0x80  }
0x13a: {  	[sflag:s11] =	ssyncset.done $0x0  }
0x13b: {  	[sflag:s11] =	ssyncadd.s32 $0xFFFFFF80  }
0x13c: {  	_ =	swait.ge [sflag:s11], $0x80  }
0x13d: {  	[sflag:s11] =	ssyncset.done $0x0  }
0x13e: {  	[sflag:s11] =	ssyncadd.s32 $0xFFFFFF80  }
0x13f: {  	[tilespmem:s1], [sflag:$0x3] =	stream.indirect.gather [spmem:s21], $0x40, s10, s29, $0xb8;
	[tilespmem:$0x1C800] =	vst v63  }
0x140: {  	_ =	swait.ge [sflag:s17], $0x2000  }
0x141: {  	[sflag:s17] =	ssyncset.done $0x0  }
0x142: {  	s26 =	simm.s32 $0x8;
	[sflag:s17] =	ssyncadd.s32 $0xFFFFE000  }
0x143: {  	[spmem:s3] =	stream.indirect.scatter.add.f32 [tilespmem:s0], [sflag:$0x6], $0x40, s18, s29, $0xb8;
	[tilespmem:$0x1C800] =	vst v63  }
0x144: {  	_ =	swait.ge [sflag:s26], $0x2000  }
0x145: {  	[sflag:s26] =	ssyncset.done $0x0  }
0x146: {  	s8 =	sadd.s32 @!p1 $0x90, s8;
	s19 =	simm.s32 @!p1 $0x80;
	[sflag:s26] =	ssyncadd.s32 $0xFFFFE000  }
0x147: {  	[tilespmem:s19], [sflag:$0xA] =	stream.linear.gather @!p1 [hbm4b:s8+s24], $0x80, $0x38;
	[tilespmem:$0x1C800] =	vst v63  }
0x148: {  	s9 =	sadd.s32 @!p1 $0x90, s9;
	s23 =	simm.s32 @!p1 $0x480;
	s0 =	simm.s32 $0x10  }
0x149: {  	[tilespmem:s23], [sflag:$0xA] =	stream.linear.gather @!p1 [hbm4b:s9+s24], $0x80, $0x38;
	[tilespmem:$0x1C800] =	vst v63  }
0x14a: {  	_ =	swait.ge [sflag:s0], $0x80  }
0x14b: {  	[sflag:s0] =	ssyncset.done $0x0  }
0x14c: {  	[sflag:s0] =	ssyncadd.s32 $0xFFFFFF80  }
0x14d: {  	_ =	swait.ge [sflag:s0], $0x80  }
0x14e: {  	[sflag:s0] =	ssyncset.done $0x0  }
0x14f: {  	s8 =	sadd.s32 $0xFFFFFFFF, s28;
	[sflag:s0] =	ssyncadd.s32 $0xFFFFFF80  }
0x150: {  	[tilespmem:s13], [sflag:$0x4] =	stream.indirect.gather [spmem:s21], $0x40, s15, s29, $0xb8;
	[tilespmem:$0x1C800] =	vst v63  }
0x151: {  	p1 =	sgt.u32 s8, $0x13D;
	_ =	swait.ge [sflag:s25], $0x2000  }
0x152: {  	p2 =	sgt.u32 @!p1 s8, $0x13B;
	[sflag:s25] =	ssyncset.done $0x0  }
0x153: {  	s9 =	simm.s32 @!p1 $0x5;
	p2 =	por p2, p1;
	[sflag:s25] =	ssyncadd.s32 $0xFFFFE000  }
0x154: {  	[spmem:s3] =	stream.indirect.scatter.add.f32 [tilespmem:s1], [sflag:$0x7], $0x40, s6, s29, $0xb8;
	[tilespmem:$0x1C800] =	vst v63  }
0x155: {  	s8 =	sadd.s32 @!p2 s20, s22;
	s1 =	rddreg [dreg:$0x5];
	_ =	swait.ge @!p1 [sflag:s9], $0x2000  }
0x156: {  	s19 =	simm.s32 @!p2 $0x0;
	s8 =	sadd.s32 @!p2 $0xA0, s8;
	[sflag:s9] =	ssyncset.done @!p1 $0x0  }
0x157: {  	s23 =	sadd.s32 @!p2 s20, s1;
	[sflag:s9] =	ssyncadd.s32 @!p1 $0xFFFFE000;
	s9 =	simm.s32 @!p2 $0x100  }
0x158: {  	[tilespmem:s9], [sflag:$0xB] =	stream.linear.gather @!p2 [hbm4b:s8+s19], $0x80, $0x38;
	[tilespmem:$0x1C800] =	vst v63  }
0x159: {  	s23 =	sadd.s32 @!p2 $0xA0, s23;
	s8 =	simm.s32 @!p2 $0x500;
	s9 =	simm.s32 @!p1 $0x9  }
0x15a: {  	[tilespmem:s8], [sflag:$0xB] =	stream.linear.gather @!p2 [hbm4b:s23+s19], $0x80, $0x38;
	[tilespmem:$0x1C800] =	vst v63  }
0x15b: {  	_ =	swait.ge @!p1 [sflag:s9], $0x80  }
0x15c: {  	[sflag:s9] =	ssyncset.done @!p1 $0x0  }
0x15d: {  	[sflag:s9] =	ssyncadd.s32 @!p1 $0xFFFFFF80  }
0x15e: {  	_ =	swait.ge @!p1 [sflag:s9], $0x80  }
0x15f: {  	s14 =	simm.s32 $0x4;
	s8 =	simm.s32 @!p1 $0x800;
	[sflag:s9] =	ssyncset.done @!p1 $0x0  }
0x160: {  	s19 =	simm.s32 @!p1 $0x80;
	s23 =	simm.s32 @!p1 $0x400;
	[sflag:s9] =	ssyncadd.s32 @!p1 $0xFFFFFF80  }
0x161: {  	[tilespmem:s8], [sflag:$0x1] =	stream.indirect.gather @!p1 [spmem:s21], $0x40, s23, s19, $0xb8;
	[tilespmem:$0x1C800] =	vst v63  }
0x162: {  	_ =	swait.ge [sflag:s14], $0x2000  }
0x163: {  	p1 =	sgt.u32 s28, $0x13D;
	[sflag:s14] =	ssyncset.done $0x0  }
0x164: {  	s8 =	simm.s32 @!p1 $0x6;
	p2 =	sgt.u32 @!p1 s28, $0x13B;
	[sflag:s14] =	ssyncadd.s32 $0xFFFFE000  }
0x165: {  	[spmem:s3] =	stream.indirect.scatter.add.f32 [tilespmem:s13], [sflag:$0x8], $0x40, s2, s29, $0xb8;
	[tilespmem:$0x1C800] =	vst v63  }
0x166: {  	s12 =	sadd.s32 $0x80, s12;
	p2 =	por p2, p1;
	_ =	swait.ge @!p1 [sflag:s8], $0x2000  }
0x167: {  	p0 =	sne.s32 s12, $0x1400;
	s9 =	sadd.s32 @!p2 s20, s22;
	[sflag:s8] =	ssyncset.done @!p1 $0x0  }
0x168: {  	s19 =	simm.s32 @!p2 $0x0;
	s23 =	simm.s32 @!p2 $0x580;
	[sflag:s8] =	ssyncadd.s32 @!p1 $0xFFFFE000  }
0x169: {  	s8 =	sadd.s32 @!p2 $0xB0, s9;
	s9 =	sadd.s32 @!p2 s20, s1;
	s20 =	simm.s32 @!p2 $0x180  }
0x16a: {  	[tilespmem:s20], [sflag:$0xC] =	stream.linear.gather @!p2 [hbm4b:s8+s19], $0x80, $0x38;
	[tilespmem:$0x1C800] =	vst v63  }
.Ltmp1:
0x16b: {  	s9 =	sadd.s32 @!p2 $0xB0, s9;
	s8 =	simm.s32 @!p1 $0xA;
	(pc) =	sbr.rel @p0 .LBB2_4-.Ltmp1, $4  }
0x16c: {  	[tilespmem:s23], [sflag:$0xC] =	stream.linear.gather @!p2 [hbm4b:s9+s19], $0x80, $0x38;
	[tilespmem:$0x1C800] =	vst v63  }
0x16d: {  	s16 =	sadd.s32 $0x1, s16;
	_ =	swait.ge @!p1 [sflag:s8], $0x80  }
0x16e: {  	s18 =	smov.u32 s21;
	s28 =	sadd.s32 $0x8, s28;
	[sflag:s8] =	ssyncset.done @!p1 $0x0  }
0x16f: {  	s2 =	smov.u32 s3;
	s19 =	simm.s32 $0x800;
	[sflag:s8] =	ssyncadd.s32 @!p1 $0xFFFFFF80  }
0x170: {  	_ =	swait.ge @!p1 [sflag:s8], $0x80  }
0x171: {  	s9 =	simm.s32 @!p1 $0x2800;
	s12 =	simm.s32 @!p1 $0x80;
	[sflag:s8] =	ssyncset.done @!p1 $0x0  }
0x172: {  	s16 =	simm.s32 @!p1 $0x480;
	s0 =	simm.s32 $0x5;
	[sflag:s8] =	ssyncadd.s32 @!p1 $0xFFFFFF80  }
0x173: {  	[tilespmem:s9], [sflag:$0x2] =	stream.indirect.gather @!p1 [spmem:s18], $0x40, s16, s12, $0xb8;
	[tilespmem:$0x1C800] =	vst v63  }
0x174: {  	_ =	swait.ge [sflag:s0], $0x2000  }
0x175: {  	[sflag:s0] =	ssyncset.done $0x0  }
0x176: {  	s16 =	simm.s32 $0x6;
	[sflag:s0] =	ssyncadd.s32 $0xFFFFE000  }
0x177: {  	_ =	swait.ge [sflag:s16], $0x2000  }
0x178: {  	[sflag:s16] =	ssyncset.done $0x0  }
0x179: {  	s17 =	simm.s32 $0x7;
	[sflag:s16] =	ssyncadd.s32 $0xFFFFE000  }
0x17a: {  	_ =	swait.ge [sflag:s17], $0x2000  }
0x17b: {  	[sflag:s17] =	ssyncset.done $0x0  }
0x17c: {  	[sflag:s17] =	ssyncadd.s32 $0xFFFFE000  }
0x17d: {  	_ =	swait.ge [sflag:s26], $0x2000  }
0x17e: {  	[sflag:s26] =	ssyncset.done $0x0  }
0x17f: {  	[sflag:s26] =	ssyncadd.s32 $0xFFFFE000  }
0x180: {  	[bflag:$0x0] =	sbarrier.arrive $0xFFFF  }
0x181: {  	s20 =	rddreg [dreg:$0x10]  }
0x182: {  	s21 =	rddreg [dreg:$0x17]  }
0x183: {  	s23 =	rddreg [dreg:$0x19]  }
0x184: {  	[hbm:s20], [sflag:s23] =	dma.local [spmem:s21], $0x1400  }
0x185: {  	s20 =	simm.s32 $0x11  }
0x186: {  	_ =	swait.ge [sflag:s20], $0x1400  }
0x187: {  	s24 =	rddreg [dreg:$0x18]  }
0x188: {  	s26 =	rddreg [dreg:$0x11];
	s0 =	sadd.s32 $0x1, s24  }
0x189: {  	p0 =	sne.s32 s0, s26  }
.Ltmp2:
0x18a: {  	_ = 	snop;
	(pc) =	sbr.rel @p0 .LBB2_1-.Ltmp2, $4  }
0x18b: {  	s28 =	simm.s32 $0x580;
	s6 =	simm.s32 $0x4800;
	s14 =	simm.s32 $0x6800  }
0x18c: {  	s10 =	simm.s32 $0xB;
	s13 =	simm.s32 $0x2;
	s15 =	simm.s32 $0xC  }
0x18d: {  	s17 =	simm.s32 $0x3;
	s23 =	simm.s32 $0x100;
	[sflag:s20] =	ssyncset.done $0x0  }
0x18e: {  	[sflag:s20] =	ssyncadd.s32 $0xFFFFEC00;
	s24 =	simm.s32 $0x500;
	s26 =	simm.s32 $0x180  }
0x18f: {  	_ =	sfence.sel $0x180000  }
0x190: {  	[bflag:$0x0] =	sbarrier.arrive $0xFFFF  }
0x191: {  	_ =	strace $0x90000047  }
0x192: {  	s0 =	stileid.u32;
	[bflag:$0x2] =	sbarrier.arrive $0xFFFF  }
0x193: {  	p0 =	sne.s32 s0, $0x0;
	s0 =	rddreg [dreg:$0x4]  }
0x194: {  	s0 =	sadd.s32 @!p0 $0x100000, s0  }
0x195: {  	[sflag:s0] =	ssyncadd.tile.s32 @!p0 $0x1;
	_ =	shalt  }
.Lfunc_end2:
_tile_overlayer_lowered:
.L_overlay_start_2:
0x196: {  	(tag) =	ssettag $0x2  }
0x197: {  	s0 =	rddreg [dreg:$0x0];
	s2 =	stileid.u32  }
0x198: {  	s1 =	rddreg [dreg:$0x1];
	p0 =	sne.s32 s2, $0x0  }
0x199: {  	s3 =	rddreg [dreg:$0x2];
	[bflag:$0x3] =	sbarrier.arrive $0xFFFF;
	s2 =	simm.s32 @!p0 $0x1C11  }
0x19a: {  	[timem:s3], [sflag:s2] =	dma.local @!p0 [hbm:s0], s1  }
0x19b: {  	s0 =	simm.s32 @!p0 $0x11  }
0x19c: {  	_ =	swait.ge @!p0 [sflag:s0], s1  }
0x19d: {  	s1 =	ssub.s32 @!p0 $0x0, s1;
	[sflag:s0] =	ssyncset.done @!p0 $0x0  }
0x19e: {  	[sflag:s0] =	ssyncadd.s32 @!p0 s1  }
0x19f: {  	[bflag:$0x3] =	sbarrier.arrive $0xFFFF  }
0x1a0: {  	_ =	shalt  }

</sc_bundles>
